<compile_context>
chip_gen: v7x
topology: tpu7x:2x2x1
jax: 0.10.2.dev20260603
libtpu: 0.0.44.dev20260713+nightly
codegen_flags: <defaults>
</compile_context>

<pallas_src>
import jax
import jax.numpy as jnp
from jax import lax
from jax.experimental import pallas as pl
from jax.experimental.pallas import tpu as pltpu
from jax.experimental.pallas import tpu_sc as plsc

NB = 4
SEQ = 8192
LANES = 16
NC, NS = 2, 16
NW = NC * NS
ROWS_PER_W = 4


def _spans_from_inputs(scale, uu):
    lens = jnp.maximum((scale * float(SEQ)).astype(jnp.int32), 1)
    maxs = jnp.maximum(SEQ - lens, 0)
    start = (uu * (maxs.astype(jnp.float32) + 1.0)).astype(jnp.int32)
    end = jnp.minimum(start + lens, SEQ)
    return start, end


def _masks_body(su_ref, tm_ref):
    rb = tm_ref.shape[0]
    start, end = _spans_from_inputs(su_ref[0], su_ref[1])
    start16, end16 = start.astype(jnp.int16), end.astype(jnp.int16)
    pos = lax.broadcasted_iota(jnp.int16, (rb, SEQ), 1)
    tm = None
    for j in range(NB):
        m = (pos >= start16[:, j:j + 1]) & (pos < end16[:, j:j + 1])
        tm = m if tm is None else (tm | m)
    tm_ref[...] = tm


def _masks_call(su2):
    B = su2.shape[1]
    rb = 32
    tm = pl.pallas_call(
        _masks_body,
        grid=(B // rb,),
        in_specs=[pl.BlockSpec((2, rb, NB), lambda i: (0, i, 0))],
        out_specs=pl.BlockSpec((rb, SEQ), lambda i: (i, 0)),
        out_shape=jax.ShapeDtypeStruct((B, SEQ), jnp.bool_),
    )(su2)
    return tm, jnp.logical_not(tm)


def _positions_body(scales_hbm, u_hbm, out_hbm, sv, uv, gb, bufs, sems):
    wid = lax.axis_index("s") * NC + lax.axis_index("c")
    pltpu.sync_copy(scales_hbm.at[pl.ds(wid * LANES, LANES)], sv)
    pltpu.sync_copy(u_hbm.at[pl.ds(wid * LANES, LANES)], uv)

    E_SLOT, CUM_SLOT, OC_SLOT, CB_SLOT, O_SLOT, B_SLOT, T_SLOT = range(7)

    def _gather(slot, idx):
        return plsc.load_gather(
            gb, [jnp.full((LANES,), slot, jnp.int32), idx])

    def _take(vec, slot, idx):
        gb[slot, :] = vec
        return _gather(slot, idx)

    iota = lax.iota(jnp.int32, LANES)
    row = iota >> 2
    jl = iota & 3
    start, end = _spans_from_inputs(sv[...], uv[...])

    ks, es = plsc.sort_key_val((row << 14) + start, end)
    ss = ks & 16383
    E = plsc.cummax((row << 14) + es) - (row << 14)
    shift1 = jnp.maximum(iota - 1, 0)
    Eprev = jnp.where(jl == 0, 0, _take(E, E_SLOT, shift1))
    cov = jnp.maximum(es - jnp.maximum(ss, Eprev), 0)
    cum = plsc.cumsum(cov)
    gb[CUM_SLOT, :] = cum
    base = jnp.where(
        row == 0, 0, _gather(CUM_SLOT, jnp.maximum((row << 2) - 1, 0)))
    cum_before = jnp.where(jl == 0, 0, _gather(CUM_SLOT, shift1) - base)
    tot = _gather(CUM_SLOT, (row << 2) + 3) - base
    newseg = (jl == 0) | (ss > Eprev)
    ocand = ss - cum_before
    lastj = plsc.cummax((row << 3) + jnp.where(newseg, jl, 0)) - (row << 3)
    lastlane = (row << 2) + lastj
    o = _take(ocand, OC_SLOT, lastlane)
    b = _take(cum_before, CB_SLOT, lastlane)
    gb[O_SLOT, :] = o
    gb[B_SLOT, :] = b
    gb[T_SLOT, :] = tot

    copies = []
    for r in range(ROWS_PER_W):
        def bc(slot, lane):
            return _gather(slot, jnp.full((LANES,), lane, jnp.int32))
        o0, o1 = bc(O_SLOT, 4 * r), bc(O_SLOT, 4 * r + 1)
        o2, o3 = bc(O_SLOT, 4 * r + 2), bc(O_SLOT, 4 * r + 3)
        b1, b2, b3 = (bc(B_SLOT, 4 * r + 1), bc(B_SLOT, 4 * r + 2),
                      bc(B_SLOT, 4 * r + 3))
        T = bc(T_SLOT, 4 * r)

        @plsc.parallel_loop(0, SEQ, LANES, unroll=4, carry=iota)
        def _(i, posv):
            off = jnp.where(posv >= b3, o3,
                  jnp.where(posv >= b2, o2,
                  jnp.where(posv >= b1, o1, o0)))
            bufs[r, pl.ds(i, LANES)] = jnp.where(posv < T, posv + off, SEQ)
            return posv + LANES
        copies.append(pltpu.async_copy(
            bufs.at[r], out_hbm.at[wid * ROWS_PER_W + r], sems[r]))
    for c in copies:
        c.wait()


def _positions_call(scales, u):
    B = scales.shape[0] // NB
    mesh = plsc.VectorSubcoreMesh(core_axis_name="c", subcore_axis_name="s")
    return pl.kernel(
        _positions_body,
        out_type=jax.ShapeDtypeStruct((B, SEQ), jnp.int32),
        mesh=mesh,
        compiler_params=pltpu.CompilerParams(needs_layout_passes=False),
        scratch_types=[
            pltpu.VMEM((LANES,), jnp.float32),
            pltpu.VMEM((LANES,), jnp.float32),
            pltpu.VMEM((8, LANES), jnp.int32),
            pltpu.VMEM((ROWS_PER_W, SEQ), jnp.int32),
            [pltpu.SemaphoreType.DMA for _ in range(ROWS_PER_W)],
        ],
    )(scales, u)


def kernel(scales, u, batch_size, seq_len):
    del batch_size, seq_len
    B = scales.shape[0] // NB
    pp = _positions_call(scales, u)
    tm, cm = _masks_call(jnp.stack([scales, u]).reshape(2, B, NB))
    return cm, tm, pp

# --- scband reference (transcript-rebuilt; emitter-appended) ---
"""Pipeline reference for scband-span-mask-generator-69973607186867 (READ-ONLY COPY).

The authoritative reference and input builder live on the scoring server;
editing this copy changes nothing except your own understanding.
"""

import jax, jax.numpy as jnp
import numpy as np

CONFIG = {"num_target_blocks": 4, "target_scale_min": 0.15, "target_scale_max": 0.2}


def setup_inputs(seed: int = 0) -> dict:
    key = jax.random.key(seed)
    batch_size = 128
    seq_len = 8192
    nb = CONFIG["num_target_blocks"]
    total_spans = batch_size * nb
    k1, k2 = jax.random.split(key)
    # Randomness is materialized in setup (torch drew it inside forward);
    # same distributions: scales ~ U(min, max), u ~ U(0, 1) for start sampling.
    scales = jax.random.uniform(
        k1, (total_spans,), dtype=jnp.float32,
        minval=CONFIG["target_scale_min"], maxval=CONFIG["target_scale_max"])
    u = jax.random.uniform(k2, (total_spans,), dtype=jnp.float32)
    return {"scales": scales, "u": u, "batch_size": batch_size, "seq_len": seq_len}


def reference(scales, u, batch_size, seq_len):
    nb = CONFIG["num_target_blocks"]
    batch_size_static = scales.shape[0] // nb
    seq_len_static = 8192
    # span_lens = clamp((scales * seq_len).int(), min=1)
    span_lens = jnp.maximum((scales * seq_len).astype(jnp.int32), 1)
    # max_starts = clamp(seq_len - span_lens, min=0)
    max_starts = jnp.maximum(seq_len - span_lens, 0)
    # starts = (rand * (max_starts + 1)).int()
    starts = (u * (max_starts.astype(jnp.float32) + 1.0)).astype(jnp.int32)
    starts = starts + batch_size * 0
    ends = jnp.minimum(starts + span_lens, seq_len)
    pos = jnp.arange(seq_len_static, dtype=jnp.int32)
    # Vectorized equivalent of the per-span scatter loop:
    # target_mask[b, start:end] = True for each span belonging to batch item b.
    span_mask = (pos[None, :] >= starts[:, None]) & (pos[None, :] < ends[:, None])
    target_mask = span_mask.reshape(batch_size_static, nb, seq_len_static).any(axis=1)
    context_mask = jnp.logical_not(target_mask)
    # target_positions (ragged list in torch) -> fixed-shape padded form:
    # positions of True entries sorted first, padded with seq_len.
    padded_positions = jnp.sort(
        jnp.where(target_mask, pos[None, :], seq_len), axis=1)
    return context_mask, target_mask, padded_positions

if __name__ == "__main__":
    import jax
    _d = setup_inputs()
    print(jax.jit(kernel)(*tuple(_d.values())))

</pallas_src>

<mosaic_0001>
#map = affine_map<(d0, d1) -> (0)>
#map1 = affine_map<(d0, d1) -> (0, 0)>
module attributes {stable_mosaic.version = 14 : i64} {
  func.func @_positions_body(%arg0: i32, %arg1: i32, %arg2: memref<512xf32, #tpu.memory_space<hbm>>, %arg3: memref<512xf32, #tpu.memory_space<hbm>>, %arg4: memref<128x8192xi32, #tpu.memory_space<hbm>>, %arg5: memref<16xf32, #tpu.memory_space<vmem>>, %arg6: memref<16xf32, #tpu.memory_space<vmem>>, %arg7: memref<8x16xi32, #tpu.memory_space<vmem>>, %arg8: memref<4x8192xi32, #tpu.memory_space<vmem>>, %arg9: memref<!tpu.dma_semaphore, #tpu.memory_space<semaphore_mem>>, %arg10: memref<!tpu.dma_semaphore, #tpu.memory_space<semaphore_mem>>, %arg11: memref<!tpu.dma_semaphore, #tpu.memory_space<semaphore_mem>>, %arg12: memref<!tpu.dma_semaphore, #tpu.memory_space<semaphore_mem>>) attributes {dimension_semantics = [#tpu.dimension_semantics<core_parallel>, #tpu.dimension_semantics<subcore_parallel>], iteration_bounds = array<i64: 2, 16>, scalar_prefetch = 0 : i64, scratch_operands = 8 : i64, tpu.core_type = #tpu.core_type<sc_vector_subcore>, window_params = [{transform_indices = #map}, {transform_indices = #map}, {transform_indices = #map1}]} {
    %mul3A = arith.constant 2 : i32
    %mul3A_0 = arith.muli %arg1, %mul3A : i32
    %add3A = arith.addi %mul3A_0, %arg0 : i32
    %mul3A_1 = arith.constant 16 : i32
    %mul3A_2 = arith.muli %add3A, %mul3A_1 : i32
    "tpu.region"() ({
      %run_scoped3A = tpu.sem_alloc : memref<!tpu.dma_semaphore, #tpu.memory_space<semaphore_mem>>
      %dma_start3A_465 = tpu.memref_slice %arg2[%mul3A_2] : memref<512xf32, #tpu.memory_space<hbm>> -> memref<16xf32, #tpu.memory_space<hbm>>
      %dma_start3A_466 = tpu.memref_slice %arg2[%mul3A_2] : memref<512xf32, #tpu.memory_space<hbm>> -> memref<16xf32, #tpu.memory_space<hbm>>
      tpu.enqueue_dma source(%dma_start3A_466 : memref<16xf32, #tpu.memory_space<hbm>>) target(%arg5 : memref<16xf32, #tpu.memory_space<vmem>>) target_semaphore(%run_scoped3A : memref<!tpu.dma_semaphore, #tpu.memory_space<semaphore_mem>>)
      %dma_wait3A_467 = tpu.memref_slice %arg2[%mul3A_2] : memref<512xf32, #tpu.memory_space<hbm>> -> memref<16xf32, #tpu.memory_space<hbm>>
      %dma_wait3A_468 = tpu.memref_slice %arg2[%mul3A_2] : memref<512xf32, #tpu.memory_space<hbm>> -> memref<16xf32, #tpu.memory_space<hbm>>
      tpu.wait_dma2 semaphore(%run_scoped3A : memref<!tpu.dma_semaphore, #tpu.memory_space<semaphore_mem>>) src(%dma_wait3A_468 : memref<16xf32, #tpu.memory_space<hbm>>) dst(%arg5 : memref<16xf32, #tpu.memory_space<vmem>>)
      tpu.yield
    }) : () -> ()
    %mul3A_3 = arith.constant 16 : i32
    %mul3A_4 = arith.muli %add3A, %mul3A_3 : i32
    "tpu.region"() ({
      %run_scoped3A = tpu.sem_alloc : memref<!tpu.dma_semaphore, #tpu.memory_space<semaphore_mem>>
      %dma_start3A_465 = tpu.memref_slice %arg3[%mul3A_4] : memref<512xf32, #tpu.memory_space<hbm>> -> memref<16xf32, #tpu.memory_space<hbm>>
      %dma_start3A_466 = tpu.memref_slice %arg3[%mul3A_4] : memref<512xf32, #tpu.memory_space<hbm>> -> memref<16xf32, #tpu.memory_space<hbm>>
      tpu.enqueue_dma source(%dma_start3A_466 : memref<16xf32, #tpu.memory_space<hbm>>) target(%arg6 : memref<16xf32, #tpu.memory_space<vmem>>) target_semaphore(%run_scoped3A : memref<!tpu.dma_semaphore, #tpu.memory_space<semaphore_mem>>)
      %dma_wait3A_467 = tpu.memref_slice %arg3[%mul3A_4] : memref<512xf32, #tpu.memory_space<hbm>> -> memref<16xf32, #tpu.memory_space<hbm>>
      %dma_wait3A_468 = tpu.memref_slice %arg3[%mul3A_4] : memref<512xf32, #tpu.memory_space<hbm>> -> memref<16xf32, #tpu.memory_space<hbm>>
      tpu.wait_dma2 semaphore(%run_scoped3A : memref<!tpu.dma_semaphore, #tpu.memory_space<semaphore_mem>>) src(%dma_wait3A_468 : memref<16xf32, #tpu.memory_space<hbm>>) dst(%arg6 : memref<16xf32, #tpu.memory_space<vmem>>)
      tpu.yield
    }) : () -> ()
    %iota3A = tpu.iota {dimensions = array<i32: 0>} : vector<16xi32>
    %shift_right_arithmetic3A = arith.constant 2 : i32
    %shift_right_arithmetic3A_5 = vector.broadcast %shift_right_arithmetic3A : i32 to vector<16xi32>
    %shift_right_arithmetic3A_6 = arith.shrsi %iota3A, %shift_right_arithmetic3A_5 : vector<16xi32>
    %and3A = arith.constant 3 : i32
    %and3A_7 = vector.broadcast %and3A : i32 to vector<16xi32>
    %and3A_8 = arith.andi %iota3A, %and3A_7 : vector<16xi32>
    %get3A = arith.constant 0 : index
    %get3A_9 = tpu.vector_load %arg5[%get3A] {strides = array<i32>} : memref<16xf32, #tpu.memory_space<vmem>>, vector<16xf32>,
    %get3A_10 = arith.constant 0 : index
    %get3A_11 = tpu.vector_load %arg6[%get3A_10] {strides = array<i32>} : memref<16xf32, #tpu.memory_space<vmem>>, vector<16xf32>,
    %mul3A_12 = arith.constant 8.192000e+03 : f32
    %mul3A_13 = vector.broadcast %mul3A_12 : f32 to vector<16xf32>
    %mul3A_14 = arith.mulf %get3A_9, %mul3A_13 : vector<16xf32>
    %convert_element_type3A = arith.fptosi %mul3A_14 : vector<16xf32> to vector<16xi32>
    %max3A = arith.constant 1 : i32
    %max3A_15 = vector.broadcast %max3A : i32 to vector<16xi32>
    %max3A_16 = arith.maxsi %convert_element_type3A, %max3A_15 : vector<16xi32>
    %sub3A = arith.constant 8192 : i32
    %sub3A_17 = vector.broadcast %sub3A : i32 to vector<16xi32>
    %sub3A_18 = arith.subi %sub3A_17, %max3A_16 : vector<16xi32>
    %max3A_19 = arith.constant 0 : i32
    %max3A_20 = vector.broadcast %max3A_19 : i32 to vector<16xi32>
    %max3A_21 = arith.maxsi %sub3A_18, %max3A_20 : vector<16xi32>
    %convert_element_type3A_22 = arith.sitofp %max3A_21 : vector<16xi32> to vector<16xf32>
    %add3A_23 = arith.constant 1.000000e+00 : f32
    %add3A_24 = vector.broadcast %add3A_23 : f32 to vector<16xf32>
    %add3A_25 = arith.addf %convert_element_type3A_22, %add3A_24 : vector<16xf32>
    %mul3A_26 = arith.mulf %get3A_11, %add3A_25 : vector<16xf32>
    %convert_element_type3A_27 = arith.fptosi %mul3A_26 : vector<16xf32> to vector<16xi32>
    %add3A_28 = arith.addi %convert_element_type3A_27, %max3A_16 : vector<16xi32>
    %min3A = arith.constant 8192 : i32
    %min3A_29 = vector.broadcast %min3A : i32 to vector<16xi32>
    %min3A_30 = arith.minsi %add3A_28, %min3A_29 : vector<16xi32>
    %shift_left3A = arith.constant 14 : i32
    %shift_left3A_31 = vector.broadcast %shift_left3A : i32 to vector<16xi32>
    %shift_left3A_32 = arith.shli %shift_right_arithmetic3A_6, %shift_left3A_31 : vector<16xi32>
    %add3A_33 = arith.addi %shift_left3A_32, %convert_element_type3A_27 : vector<16xi32>
    %masked_sort3A = arith.constant dense<true> : vector<16xi1>
    %masked_sort3A_34 = arith.constant -2147483648 : i32
    %masked_sort3A_35 = vector.broadcast %masked_sort3A_34 : i32 to vector<16xi32>
    %masked_sort3A_36 = arith.xori %add3A_33, %masked_sort3A_35 : vector<16xi32>
    %masked_sort3A_37, %masked_sort3A_38, %masked_sort3A_39 = tpu.sort %masked_sort3A_36, %min3A_30 masked %masked_sort3A : (vector<16xi32>, vector<16xi32>, vector<16xi1>) -> (vector<16xi1>, vector<16xi32>, vector<16xi32>)
    %masked_sort3A_40 = arith.xori %masked_sort3A_38, %masked_sort3A_35 : vector<16xi32>
    %and3A_41 = arith.constant 16383 : i32
    %and3A_42 = vector.broadcast %and3A_41 : i32 to vector<16xi32>
    %and3A_43 = arith.andi %masked_sort3A_40, %and3A_42 : vector<16xi32>
    %shift_left3A_44 = arith.constant 14 : i32
    %shift_left3A_45 = vector.broadcast %shift_left3A_44 : i32 to vector<16xi32>
    %shift_left3A_46 = arith.shli %shift_right_arithmetic3A_6, %shift_left3A_45 : vector<16xi32>
    %add3A_47 = arith.addi %shift_left3A_46, %masked_sort3A_39 : vector<16xi32>
    %broadcast_in_dim3A = arith.constant true
    %broadcast_in_dim3A_48 = vector.broadcast %broadcast_in_dim3A : i1 to vector<16xi1>
    %masked_cummax3A = arith.constant -2147483648 : i32
    %masked_cummax3A_49 = vector.broadcast %masked_cummax3A : i32 to vector<16xi32>
    %masked_cummax3A_50 = arith.xori %add3A_47, %masked_cummax3A_49 : vector<16xi32>
    %masked_cummax3A_51 = tpu.scan <max>, %masked_cummax3A_50 masked %broadcast_in_dim3A_48 : vector<16xi32>, vector<16xi1> -> vector<16xi32>
    %masked_cummax3A_52 = arith.xori %masked_cummax3A_51, %masked_cummax3A_49 : vector<16xi32>
    %shift_left3A_53 = arith.constant 14 : i32
    %shift_left3A_54 = vector.broadcast %shift_left3A_53 : i32 to vector<16xi32>
    %shift_left3A_55 = arith.shli %shift_right_arithmetic3A_6, %shift_left3A_54 : vector<16xi32>
    %sub3A_56 = arith.subi %masked_cummax3A_52, %shift_left3A_55 : vector<16xi32>
    %sub3A_57 = arith.constant 1 : i32
    %sub3A_58 = vector.broadcast %sub3A_57 : i32 to vector<16xi32>
    %sub3A_59 = arith.subi %iota3A, %sub3A_58 : vector<16xi32>
    %max3A_60 = arith.constant 0 : i32
    %max3A_61 = vector.broadcast %max3A_60 : i32 to vector<16xi32>
    %max3A_62 = arith.maxsi %sub3A_59, %max3A_61 : vector<16xi32>
    %eq3A = arith.constant 0 : i32
    %eq3A_63 = vector.broadcast %eq3A : i32 to vector<16xi32>
    %eq3A_64 = arith.cmpi eq, %and3A_8, %eq3A_63 : vector<16xi32>
    %swap3A = arith.constant 0 : i32
    %swap3A_65 = arith.index_cast %swap3A : i32 to index
    %swap3A_66 = arith.constant 0 : index
    %swap3A_67 = tpu.vector_load %arg7[%swap3A_65, %swap3A_66] {strides = array<i32>} : memref<8x16xi32, #tpu.memory_space<vmem>>, vector<16xi32>,
    tpu.vector_store %arg7[%swap3A_65, %swap3A_66], %sub3A_56 {strides = array<i32>} : memref<8x16xi32, #tpu.memory_space<vmem>>, vector<16xi32>,
    %broadcast_in_dim3A_68 = arith.constant 0 : i32
    %broadcast_in_dim3A_69 = vector.broadcast %broadcast_in_dim3A_68 : i32 to vector<16xi32>
    %gather3A = tpu.vector_load_idx %arg7[%broadcast_in_dim3A_69, %max3A_62] : memref<8x16xi32, #tpu.memory_space<vmem>>[vector<16xi32>, vector<16xi32>], vector<16xi32>,
    %jit3A = arith.constant 0 : i32
    %broadcast_in_dim3A_70 = vector.broadcast %jit3A : i32 to vector<16xi32>
    %select_n3A = arith.select %eq3A_64, %broadcast_in_dim3A_70, %gather3A : vector<16xi1>, vector<16xi32>
    %max3A_71 = arith.maxsi %and3A_43, %select_n3A : vector<16xi32>
    %sub3A_72 = arith.subi %masked_sort3A_39, %max3A_71 : vector<16xi32>
    %max3A_73 = arith.constant 0 : i32
    %max3A_74 = vector.broadcast %max3A_73 : i32 to vector<16xi32>
    %max3A_75 = arith.maxsi %sub3A_72, %max3A_74 : vector<16xi32>
    %broadcast_in_dim3A_76 = arith.constant true
    %broadcast_in_dim3A_77 = vector.broadcast %broadcast_in_dim3A_76 : i1 to vector<16xi1>
    %masked_cumsum3A = tpu.scan <sum>, %max3A_75 masked %broadcast_in_dim3A_77 : vector<16xi32>, vector<16xi1> -> vector<16xi32>
    %swap3A_78 = arith.constant 1 : i32
    %swap3A_79 = arith.index_cast %swap3A_78 : i32 to index
    %swap3A_80 = arith.constant 0 : index
    %swap3A_81 = tpu.vector_load %arg7[%swap3A_79, %swap3A_80] {strides = array<i32>} : memref<8x16xi32, #tpu.memory_space<vmem>>, vector<16xi32>,
    tpu.vector_store %arg7[%swap3A_79, %swap3A_80], %masked_cumsum3A {strides = array<i32>} : memref<8x16xi32, #tpu.memory_space<vmem>>, vector<16xi32>,
    %eq3A_82 = arith.constant 0 : i32
    %eq3A_83 = vector.broadcast %eq3A_82 : i32 to vector<16xi32>
    %eq3A_84 = arith.cmpi eq, %shift_right_arithmetic3A_6, %eq3A_83 : vector<16xi32>
    %shift_left3A_85 = arith.constant 2 : i32
    %shift_left3A_86 = vector.broadcast %shift_left3A_85 : i32 to vector<16xi32>
    %shift_left3A_87 = arith.shli %shift_right_arithmetic3A_6, %shift_left3A_86 : vector<16xi32>
    %sub3A_88 = arith.constant 1 : i32
    %sub3A_89 = vector.broadcast %sub3A_88 : i32 to vector<16xi32>
    %sub3A_90 = arith.subi %shift_left3A_87, %sub3A_89 : vector<16xi32>
    %max3A_91 = arith.constant 0 : i32
    %max3A_92 = vector.broadcast %max3A_91 : i32 to vector<16xi32>
    %max3A_93 = arith.maxsi %sub3A_90, %max3A_92 : vector<16xi32>
    %broadcast_in_dim3A_94 = arith.constant 1 : i32
    %broadcast_in_dim3A_95 = vector.broadcast %broadcast_in_dim3A_94 : i32 to vector<16xi32>
    %gather3A_96 = tpu.vector_load_idx %arg7[%broadcast_in_dim3A_95, %max3A_93] : memref<8x16xi32, #tpu.memory_space<vmem>>[vector<16xi32>, vector<16xi32>], vector<16xi32>,
    %jit3A_97 = arith.constant 0 : i32
    %broadcast_in_dim3A_98 = vector.broadcast %jit3A_97 : i32 to vector<16xi32>
    %select_n3A_99 = arith.select %eq3A_84, %broadcast_in_dim3A_98, %gather3A_96 : vector<16xi1>, vector<16xi32>
    %eq3A_100 = arith.constant 0 : i32
    %eq3A_101 = vector.broadcast %eq3A_100 : i32 to vector<16xi32>
    %eq3A_102 = arith.cmpi eq, %and3A_8, %eq3A_101 : vector<16xi32>
    %broadcast_in_dim3A_103 = arith.constant 1 : i32
    %broadcast_in_dim3A_104 = vector.broadcast %broadcast_in_dim3A_103 : i32 to vector<16xi32>
    %gather3A_105 = tpu.vector_load_idx %arg7[%broadcast_in_dim3A_104, %max3A_62] : memref<8x16xi32, #tpu.memory_space<vmem>>[vector<16xi32>, vector<16xi32>], vector<16xi32>,
    %sub3A_106 = arith.subi %gather3A_105, %select_n3A_99 : vector<16xi32>
    %jit3A_107 = arith.constant 0 : i32
    %broadcast_in_dim3A_108 = vector.broadcast %jit3A_107 : i32 to vector<16xi32>
    %select_n3A_109 = arith.select %eq3A_102, %broadcast_in_dim3A_108, %sub3A_106 : vector<16xi1>, vector<16xi32>
    %shift_left3A_110 = arith.constant 2 : i32
    %shift_left3A_111 = vector.broadcast %shift_left3A_110 : i32 to vector<16xi32>
    %shift_left3A_112 = arith.shli %shift_right_arithmetic3A_6, %shift_left3A_111 : vector<16xi32>
    %add3A_113 = arith.constant 3 : i32
    %add3A_114 = vector.broadcast %add3A_113 : i32 to vector<16xi32>
    %add3A_115 = arith.addi %shift_left3A_112, %add3A_114 : vector<16xi32>
    %broadcast_in_dim3A_116 = arith.constant 1 : i32
    %broadcast_in_dim3A_117 = vector.broadcast %broadcast_in_dim3A_116 : i32 to vector<16xi32>
    %gather3A_118 = tpu.vector_load_idx %arg7[%broadcast_in_dim3A_117, %add3A_115] : memref<8x16xi32, #tpu.memory_space<vmem>>[vector<16xi32>, vector<16xi32>], vector<16xi32>,
    %sub3A_119 = arith.subi %gather3A_118, %select_n3A_99 : vector<16xi32>
    %eq3A_120 = arith.constant 0 : i32
    %eq3A_121 = vector.broadcast %eq3A_120 : i32 to vector<16xi32>
    %eq3A_122 = arith.cmpi eq, %and3A_8, %eq3A_121 : vector<16xi32>
    %gt3A = arith.cmpi sgt, %and3A_43, %select_n3A : vector<16xi32>
    %or3A = arith.ori %eq3A_122, %gt3A : vector<16xi1>
    %sub3A_123 = arith.subi %and3A_43, %select_n3A_109 : vector<16xi32>
    %shift_left3A_124 = arith.constant 3 : i32
    %shift_left3A_125 = vector.broadcast %shift_left3A_124 : i32 to vector<16xi32>
    %shift_left3A_126 = arith.shli %shift_right_arithmetic3A_6, %shift_left3A_125 : vector<16xi32>
    %jit3A_127 = arith.constant 0 : i32
    %broadcast_in_dim3A_128 = vector.broadcast %jit3A_127 : i32 to vector<16xi32>
    %select_n3A_129 = arith.select %or3A, %and3A_8, %broadcast_in_dim3A_128 : vector<16xi1>, vector<16xi32>
    %add3A_130 = arith.addi %shift_left3A_126, %select_n3A_129 : vector<16xi32>
    %broadcast_in_dim3A_131 = arith.constant true
    %broadcast_in_dim3A_132 = vector.broadcast %broadcast_in_dim3A_131 : i1 to vector<16xi1>
    %masked_cummax3A_133 = arith.constant -2147483648 : i32
    %masked_cummax3A_134 = vector.broadcast %masked_cummax3A_133 : i32 to vector<16xi32>
    %masked_cummax3A_135 = arith.xori %add3A_130, %masked_cummax3A_134 : vector<16xi32>
    %masked_cummax3A_136 = tpu.scan <max>, %masked_cummax3A_135 masked %broadcast_in_dim3A_132 : vector<16xi32>, vector<16xi1> -> vector<16xi32>
    %masked_cummax3A_137 = arith.xori %masked_cummax3A_136, %masked_cummax3A_134 : vector<16xi32>
    %shift_left3A_138 = arith.constant 3 : i32
    %shift_left3A_139 = vector.broadcast %shift_left3A_138 : i32 to vector<16xi32>
    %shift_left3A_140 = arith.shli %shift_right_arithmetic3A_6, %shift_left3A_139 : vector<16xi32>
    %sub3A_141 = arith.subi %masked_cummax3A_137, %shift_left3A_140 : vector<16xi32>
    %shift_left3A_142 = arith.constant 2 : i32
    %shift_left3A_143 = vector.broadcast %shift_left3A_142 : i32 to vector<16xi32>
    %shift_left3A_144 = arith.shli %shift_right_arithmetic3A_6, %shift_left3A_143 : vector<16xi32>
    %add3A_145 = arith.addi %shift_left3A_144, %sub3A_141 : vector<16xi32>
    %swap3A_146 = arith.constant 2 : i32
    %swap3A_147 = arith.index_cast %swap3A_146 : i32 to index
    %swap3A_148 = arith.constant 0 : index
    %swap3A_149 = tpu.vector_load %arg7[%swap3A_147, %swap3A_148] {strides = array<i32>} : memref<8x16xi32, #tpu.memory_space<vmem>>, vector<16xi32>,
    tpu.vector_store %arg7[%swap3A_147, %swap3A_148], %sub3A_123 {strides = array<i32>} : memref<8x16xi32, #tpu.memory_space<vmem>>, vector<16xi32>,
    %broadcast_in_dim3A_150 = arith.constant 2 : i32
    %broadcast_in_dim3A_151 = vector.broadcast %broadcast_in_dim3A_150 : i32 to vector<16xi32>
    %gather3A_152 = tpu.vector_load_idx %arg7[%broadcast_in_dim3A_151, %add3A_145] : memref<8x16xi32, #tpu.memory_space<vmem>>[vector<16xi32>, vector<16xi32>], vector<16xi32>,
    %swap3A_153 = arith.constant 3 : i32
    %swap3A_154 = arith.index_cast %swap3A_153 : i32 to index
    %swap3A_155 = arith.constant 0 : index
    %swap3A_156 = tpu.vector_load %arg7[%swap3A_154, %swap3A_155] {strides = array<i32>} : memref<8x16xi32, #tpu.memory_space<vmem>>, vector<16xi32>,
    tpu.vector_store %arg7[%swap3A_154, %swap3A_155], %select_n3A_109 {strides = array<i32>} : memref<8x16xi32, #tpu.memory_space<vmem>>, vector<16xi32>,
    %broadcast_in_dim3A_157 = arith.constant 3 : i32
    %broadcast_in_dim3A_158 = vector.broadcast %broadcast_in_dim3A_157 : i32 to vector<16xi32>
    %gather3A_159 = tpu.vector_load_idx %arg7[%broadcast_in_dim3A_158, %add3A_145] : memref<8x16xi32, #tpu.memory_space<vmem>>[vector<16xi32>, vector<16xi32>], vector<16xi32>,
    %swap3A_160 = arith.constant 4 : i32
    %swap3A_161 = arith.index_cast %swap3A_160 : i32 to index
    %swap3A_162 = arith.constant 0 : index
    %swap3A_163 = tpu.vector_load %arg7[%swap3A_161, %swap3A_162] {strides = array<i32>} : memref<8x16xi32, #tpu.memory_space<vmem>>, vector<16xi32>,
    tpu.vector_store %arg7[%swap3A_161, %swap3A_162], %gather3A_152 {strides = array<i32>} : memref<8x16xi32, #tpu.memory_space<vmem>>, vector<16xi32>,
    %swap3A_164 = arith.constant 5 : i32
    %swap3A_165 = arith.index_cast %swap3A_164 : i32 to index
    %swap3A_166 = arith.constant 0 : index
    %swap3A_167 = tpu.vector_load %arg7[%swap3A_165, %swap3A_166] {strides = array<i32>} : memref<8x16xi32, #tpu.memory_space<vmem>>, vector<16xi32>,
    tpu.vector_store %arg7[%swap3A_165, %swap3A_166], %gather3A_159 {strides = array<i32>} : memref<8x16xi32, #tpu.memory_space<vmem>>, vector<16xi32>,
    %swap3A_168 = arith.constant 6 : i32
    %swap3A_169 = arith.index_cast %swap3A_168 : i32 to index
    %swap3A_170 = arith.constant 0 : index
    %swap3A_171 = tpu.vector_load %arg7[%swap3A_169, %swap3A_170] {strides = array<i32>} : memref<8x16xi32, #tpu.memory_space<vmem>>, vector<16xi32>,
    tpu.vector_store %arg7[%swap3A_169, %swap3A_170], %sub3A_119 {strides = array<i32>} : memref<8x16xi32, #tpu.memory_space<vmem>>, vector<16xi32>,
    %broadcast_in_dim3A_172 = arith.constant 0 : i32
    %broadcast_in_dim3A_173 = vector.broadcast %broadcast_in_dim3A_172 : i32 to vector<16xi32>
    %broadcast_in_dim3A_174 = arith.constant 4 : i32
    %broadcast_in_dim3A_175 = vector.broadcast %broadcast_in_dim3A_174 : i32 to vector<16xi32>
    %gather3A_176 = tpu.vector_load_idx %arg7[%broadcast_in_dim3A_175, %broadcast_in_dim3A_173] : memref<8x16xi32, #tpu.memory_space<vmem>>[vector<16xi32>, vector<16xi32>], vector<16xi32>,
    %broadcast_in_dim3A_177 = arith.constant 1 : i32
    %broadcast_in_dim3A_178 = vector.broadcast %broadcast_in_dim3A_177 : i32 to vector<16xi32>
    %broadcast_in_dim3A_179 = arith.constant 4 : i32
    %broadcast_in_dim3A_180 = vector.broadcast %broadcast_in_dim3A_179 : i32 to vector<16xi32>
    %gather3A_181 = tpu.vector_load_idx %arg7[%broadcast_in_dim3A_180, %broadcast_in_dim3A_178] : memref<8x16xi32, #tpu.memory_space<vmem>>[vector<16xi32>, vector<16xi32>], vector<16xi32>,
    %broadcast_in_dim3A_182 = arith.constant 2 : i32
    %broadcast_in_dim3A_183 = vector.broadcast %broadcast_in_dim3A_182 : i32 to vector<16xi32>
    %broadcast_in_dim3A_184 = arith.constant 4 : i32
    %broadcast_in_dim3A_185 = vector.broadcast %broadcast_in_dim3A_184 : i32 to vector<16xi32>
    %gather3A_186 = tpu.vector_load_idx %arg7[%broadcast_in_dim3A_185, %broadcast_in_dim3A_183] : memref<8x16xi32, #tpu.memory_space<vmem>>[vector<16xi32>, vector<16xi32>], vector<16xi32>,
    %broadcast_in_dim3A_187 = arith.constant 3 : i32
    %broadcast_in_dim3A_188 = vector.broadcast %broadcast_in_dim3A_187 : i32 to vector<16xi32>
    %broadcast_in_dim3A_189 = arith.constant 4 : i32
    %broadcast_in_dim3A_190 = vector.broadcast %broadcast_in_dim3A_189 : i32 to vector<16xi32>
    %gather3A_191 = tpu.vector_load_idx %arg7[%broadcast_in_dim3A_190, %broadcast_in_dim3A_188] : memref<8x16xi32, #tpu.memory_space<vmem>>[vector<16xi32>, vector<16xi32>], vector<16xi32>,
    %broadcast_in_dim3A_192 = arith.constant 1 : i32
    %broadcast_in_dim3A_193 = vector.broadcast %broadcast_in_dim3A_192 : i32 to vector<16xi32>
    %broadcast_in_dim3A_194 = arith.constant 5 : i32
    %broadcast_in_dim3A_195 = vector.broadcast %broadcast_in_dim3A_194 : i32 to vector<16xi32>
    %gather3A_196 = tpu.vector_load_idx %arg7[%broadcast_in_dim3A_195, %broadcast_in_dim3A_193] : memref<8x16xi32, #tpu.memory_space<vmem>>[vector<16xi32>, vector<16xi32>], vector<16xi32>,
    %broadcast_in_dim3A_197 = arith.constant 2 : i32
    %broadcast_in_dim3A_198 = vector.broadcast %broadcast_in_dim3A_197 : i32 to vector<16xi32>
    %broadcast_in_dim3A_199 = arith.constant 5 : i32
    %broadcast_in_dim3A_200 = vector.broadcast %broadcast_in_dim3A_199 : i32 to vector<16xi32>
    %gather3A_201 = tpu.vector_load_idx %arg7[%broadcast_in_dim3A_200, %broadcast_in_dim3A_198] : memref<8x16xi32, #tpu.memory_space<vmem>>[vector<16xi32>, vector<16xi32>], vector<16xi32>,
    %broadcast_in_dim3A_202 = arith.constant 3 : i32
    %broadcast_in_dim3A_203 = vector.broadcast %broadcast_in_dim3A_202 : i32 to vector<16xi32>
    %broadcast_in_dim3A_204 = arith.constant 5 : i32
    %broadcast_in_dim3A_205 = vector.broadcast %broadcast_in_dim3A_204 : i32 to vector<16xi32>
    %gather3A_206 = tpu.vector_load_idx %arg7[%broadcast_in_dim3A_205, %broadcast_in_dim3A_203] : memref<8x16xi32, #tpu.memory_space<vmem>>[vector<16xi32>, vector<16xi32>], vector<16xi32>,
    %broadcast_in_dim3A_207 = arith.constant 0 : i32
    %broadcast_in_dim3A_208 = vector.broadcast %broadcast_in_dim3A_207 : i32 to vector<16xi32>
    %broadcast_in_dim3A_209 = arith.constant 6 : i32
    %broadcast_in_dim3A_210 = vector.broadcast %broadcast_in_dim3A_209 : i32 to vector<16xi32>
    %gather3A_211 = tpu.vector_load_idx %arg7[%broadcast_in_dim3A_210, %broadcast_in_dim3A_208] : memref<8x16xi32, #tpu.memory_space<vmem>>[vector<16xi32>, vector<16xi32>], vector<16xi32>,
    %parallel_loop3A = arith.constant 0 : i32
    %parallel_loop3A_212 = arith.constant 8192 : i32
    %parallel_loop3A_213 = arith.constant 16 : i32
    %parallel_loop3A_214 = scf.for %parallel_loop3A_465 = %parallel_loop3A to %parallel_loop3A_212 step %parallel_loop3A_213 iter_args(%parallel_loop3A_466 = %iota3A) -> (vector<16xi32>)  : i32 {
      %parallel_loop3A_467 = arith.cmpi sge, %parallel_loop3A_466, %gather3A_206 : vector<16xi32>
      %parallel_loop3A_468 = arith.cmpi sge, %parallel_loop3A_466, %gather3A_201 : vector<16xi32>
      %parallel_loop3A_469 = arith.cmpi sge, %parallel_loop3A_466, %gather3A_196 : vector<16xi32>
      %parallel_loop3A_470 = arith.select %parallel_loop3A_469, %gather3A_181, %gather3A_176 : vector<16xi1>, vector<16xi32>
      %parallel_loop3A_471 = arith.select %parallel_loop3A_468, %gather3A_186, %parallel_loop3A_470 : vector<16xi1>, vector<16xi32>
      %parallel_loop3A_472 = arith.select %parallel_loop3A_467, %gather3A_191, %parallel_loop3A_471 : vector<16xi1>, vector<16xi32>
      %parallel_loop3A_473 = arith.cmpi slt, %parallel_loop3A_466, %gather3A_211 : vector<16xi32>
      %parallel_loop3A_474 = arith.addi %parallel_loop3A_466, %parallel_loop3A_472 : vector<16xi32>
      %parallel_loop3A_475 = arith.constant 8192 : i32
      %parallel_loop3A_476 = vector.broadcast %parallel_loop3A_475 : i32 to vector<16xi32>
      %parallel_loop3A_477 = arith.select %parallel_loop3A_473, %parallel_loop3A_474, %parallel_loop3A_476 : vector<16xi1>, vector<16xi32>
      %parallel_loop3A_478 = arith.constant 0 : i32
      %parallel_loop3A_479 = arith.index_cast %parallel_loop3A_478 : i32 to index
      %parallel_loop3A_480 = arith.index_cast %parallel_loop3A_465 : i32 to index
      %parallel_loop3A_481 = tpu.vector_load %arg8[%parallel_loop3A_479, %parallel_loop3A_480] {strides = array<i32>} : memref<4x8192xi32, #tpu.memory_space<vmem>>, vector<16xi32>,
      tpu.vector_store %arg8[%parallel_loop3A_479, %parallel_loop3A_480], %parallel_loop3A_477 {strides = array<i32>} : memref<4x8192xi32, #tpu.memory_space<vmem>>, vector<16xi32>,
      %parallel_loop3A_482 = arith.constant 16 : i32
      %parallel_loop3A_483 = vector.broadcast %parallel_loop3A_482 : i32 to vector<16xi32>
      %parallel_loop3A_484 = arith.addi %parallel_loop3A_466, %parallel_loop3A_483 : vector<16xi32>
      scf.yield %parallel_loop3A_484 : vector<16xi32>
    } {sc.loop_unroll_factor = 4 : i64, sc.parallel_access}
    %mul3A_215 = arith.constant 4 : i32
    %mul3A_216 = arith.muli %add3A, %mul3A_215 : i32
    %add3A_217 = arith.constant 0 : i32
    %add3A_218 = arith.addi %mul3A_216, %add3A_217 : i32
    %dma_start3A = arith.constant 0 : i32
    %dma_start3A_219 = arith.constant 0 : i32
    %dma_start3A_220 = tpu.memref_slice %arg8[%dma_start3A, %dma_start3A_219] : memref<4x8192xi32, #tpu.memory_space<vmem>> -> memref<1x8192xi32, #tpu.memory_space<vmem>>
    %dma_start3A_221 = tpu.memref_squeeze %dma_start3A_220 : memref<1x8192xi32, #tpu.memory_space<vmem>> -> memref<8192xi32, #tpu.memory_space<vmem>>
    %dma_start3A_222 = arith.constant 0 : i32
    %dma_start3A_223 = tpu.memref_slice %arg4[%add3A_218, %dma_start3A_222] : memref<128x8192xi32, #tpu.memory_space<hbm>> -> memref<1x8192xi32, #tpu.memory_space<hbm>>
    %dma_start3A_224 = tpu.memref_squeeze %dma_start3A_223 : memref<1x8192xi32, #tpu.memory_space<hbm>> -> memref<8192xi32, #tpu.memory_space<hbm>>
    %dma_start3A_225 = arith.constant 0 : i32
    %dma_start3A_226 = tpu.memref_slice %arg4[%add3A_218, %dma_start3A_225] : memref<128x8192xi32, #tpu.memory_space<hbm>> -> memref<1x8192xi32, #tpu.memory_space<hbm>>
    %dma_start3A_227 = tpu.memref_squeeze %dma_start3A_226 : memref<1x8192xi32, #tpu.memory_space<hbm>> -> memref<8192xi32, #tpu.memory_space<hbm>>
    %dma_start3A_228 = arith.constant 0 : i32
    %dma_start3A_229 = tpu.memref_slice %arg8[%dma_start3A, %dma_start3A_228] : memref<4x8192xi32, #tpu.memory_space<vmem>> -> memref<1x8192xi32, #tpu.memory_space<vmem>>
    %dma_start3A_230 = tpu.memref_squeeze %dma_start3A_229 : memref<1x8192xi32, #tpu.memory_space<vmem>> -> memref<8192xi32, #tpu.memory_space<vmem>>
    tpu.enqueue_dma source(%dma_start3A_230 : memref<8192xi32, #tpu.memory_space<vmem>>) target(%dma_start3A_227 : memref<8192xi32, #tpu.memory_space<hbm>>) target_semaphore(%arg9 : memref<!tpu.dma_semaphore, #tpu.memory_space<semaphore_mem>>)
    %broadcast_in_dim3A_231 = arith.constant 4 : i32
    %broadcast_in_dim3A_232 = vector.broadcast %broadcast_in_dim3A_231 : i32 to vector<16xi32>
    %broadcast_in_dim3A_233 = arith.constant 4 : i32
    %broadcast_in_dim3A_234 = vector.broadcast %broadcast_in_dim3A_233 : i32 to vector<16xi32>
    %gather3A_235 = tpu.vector_load_idx %arg7[%broadcast_in_dim3A_234, %broadcast_in_dim3A_232] : memref<8x16xi32, #tpu.memory_space<vmem>>[vector<16xi32>, vector<16xi32>], vector<16xi32>,
    %broadcast_in_dim3A_236 = arith.constant 5 : i32
    %broadcast_in_dim3A_237 = vector.broadcast %broadcast_in_dim3A_236 : i32 to vector<16xi32>
    %broadcast_in_dim3A_238 = arith.constant 4 : i32
    %broadcast_in_dim3A_239 = vector.broadcast %broadcast_in_dim3A_238 : i32 to vector<16xi32>
    %gather3A_240 = tpu.vector_load_idx %arg7[%broadcast_in_dim3A_239, %broadcast_in_dim3A_237] : memref<8x16xi32, #tpu.memory_space<vmem>>[vector<16xi32>, vector<16xi32>], vector<16xi32>,
    %broadcast_in_dim3A_241 = arith.constant 6 : i32
    %broadcast_in_dim3A_242 = vector.broadcast %broadcast_in_dim3A_241 : i32 to vector<16xi32>
    %broadcast_in_dim3A_243 = arith.constant 4 : i32
    %broadcast_in_dim3A_244 = vector.broadcast %broadcast_in_dim3A_243 : i32 to vector<16xi32>
    %gather3A_245 = tpu.vector_load_idx %arg7[%broadcast_in_dim3A_244, %broadcast_in_dim3A_242] : memref<8x16xi32, #tpu.memory_space<vmem>>[vector<16xi32>, vector<16xi32>], vector<16xi32>,
    %broadcast_in_dim3A_246 = arith.constant 7 : i32
    %broadcast_in_dim3A_247 = vector.broadcast %broadcast_in_dim3A_246 : i32 to vector<16xi32>
    %broadcast_in_dim3A_248 = arith.constant 4 : i32
    %broadcast_in_dim3A_249 = vector.broadcast %broadcast_in_dim3A_248 : i32 to vector<16xi32>
    %gather3A_250 = tpu.vector_load_idx %arg7[%broadcast_in_dim3A_249, %broadcast_in_dim3A_247] : memref<8x16xi32, #tpu.memory_space<vmem>>[vector<16xi32>, vector<16xi32>], vector<16xi32>,
    %broadcast_in_dim3A_251 = arith.constant 5 : i32
    %broadcast_in_dim3A_252 = vector.broadcast %broadcast_in_dim3A_251 : i32 to vector<16xi32>
    %broadcast_in_dim3A_253 = arith.constant 5 : i32
    %broadcast_in_dim3A_254 = vector.broadcast %broadcast_in_dim3A_253 : i32 to vector<16xi32>
    %gather3A_255 = tpu.vector_load_idx %arg7[%broadcast_in_dim3A_254, %broadcast_in_dim3A_252] : memref<8x16xi32, #tpu.memory_space<vmem>>[vector<16xi32>, vector<16xi32>], vector<16xi32>,
    %broadcast_in_dim3A_256 = arith.constant 6 : i32
    %broadcast_in_dim3A_257 = vector.broadcast %broadcast_in_dim3A_256 : i32 to vector<16xi32>
    %broadcast_in_dim3A_258 = arith.constant 5 : i32
    %broadcast_in_dim3A_259 = vector.broadcast %broadcast_in_dim3A_258 : i32 to vector<16xi32>
    %gather3A_260 = tpu.vector_load_idx %arg7[%broadcast_in_dim3A_259, %broadcast_in_dim3A_257] : memref<8x16xi32, #tpu.memory_space<vmem>>[vector<16xi32>, vector<16xi32>], vector<16xi32>,
    %broadcast_in_dim3A_261 = arith.constant 7 : i32
    %broadcast_in_dim3A_262 = vector.broadcast %broadcast_in_dim3A_261 : i32 to vector<16xi32>
    %broadcast_in_dim3A_263 = arith.constant 5 : i32
    %broadcast_in_dim3A_264 = vector.broadcast %broadcast_in_dim3A_263 : i32 to vector<16xi32>
    %gather3A_265 = tpu.vector_load_idx %arg7[%broadcast_in_dim3A_264, %broadcast_in_dim3A_262] : memref<8x16xi32, #tpu.memory_space<vmem>>[vector<16xi32>, vector<16xi32>], vector<16xi32>,
    %broadcast_in_dim3A_266 = arith.constant 4 : i32
    %broadcast_in_dim3A_267 = vector.broadcast %broadcast_in_dim3A_266 : i32 to vector<16xi32>
    %broadcast_in_dim3A_268 = arith.constant 6 : i32
    %broadcast_in_dim3A_269 = vector.broadcast %broadcast_in_dim3A_268 : i32 to vector<16xi32>
    %gather3A_270 = tpu.vector_load_idx %arg7[%broadcast_in_dim3A_269, %broadcast_in_dim3A_267] : memref<8x16xi32, #tpu.memory_space<vmem>>[vector<16xi32>, vector<16xi32>], vector<16xi32>,
    %parallel_loop3A_271 = arith.constant 0 : i32
    %parallel_loop3A_272 = arith.constant 8192 : i32
    %parallel_loop3A_273 = arith.constant 16 : i32
    %parallel_loop3A_274 = scf.for %parallel_loop3A_465 = %parallel_loop3A_271 to %parallel_loop3A_272 step %parallel_loop3A_273 iter_args(%parallel_loop3A_466 = %iota3A) -> (vector<16xi32>)  : i32 {
      %parallel_loop3A_467 = arith.cmpi sge, %parallel_loop3A_466, %gather3A_265 : vector<16xi32>
      %parallel_loop3A_468 = arith.cmpi sge, %parallel_loop3A_466, %gather3A_260 : vector<16xi32>
      %parallel_loop3A_469 = arith.cmpi sge, %parallel_loop3A_466, %gather3A_255 : vector<16xi32>
      %parallel_loop3A_470 = arith.select %parallel_loop3A_469, %gather3A_240, %gather3A_235 : vector<16xi1>, vector<16xi32>
      %parallel_loop3A_471 = arith.select %parallel_loop3A_468, %gather3A_245, %parallel_loop3A_470 : vector<16xi1>, vector<16xi32>
      %parallel_loop3A_472 = arith.select %parallel_loop3A_467, %gather3A_250, %parallel_loop3A_471 : vector<16xi1>, vector<16xi32>
      %parallel_loop3A_473 = arith.cmpi slt, %parallel_loop3A_466, %gather3A_270 : vector<16xi32>
      %parallel_loop3A_474 = arith.addi %parallel_loop3A_466, %parallel_loop3A_472 : vector<16xi32>
      %parallel_loop3A_475 = arith.constant 8192 : i32
      %parallel_loop3A_476 = vector.broadcast %parallel_loop3A_475 : i32 to vector<16xi32>
      %parallel_loop3A_477 = arith.select %parallel_loop3A_473, %parallel_loop3A_474, %parallel_loop3A_476 : vector<16xi1>, vector<16xi32>
      %parallel_loop3A_478 = arith.constant 1 : i32
      %parallel_loop3A_479 = arith.index_cast %parallel_loop3A_478 : i32 to index
      %parallel_loop3A_480 = arith.index_cast %parallel_loop3A_465 : i32 to index
      %parallel_loop3A_481 = tpu.vector_load %arg8[%parallel_loop3A_479, %parallel_loop3A_480] {strides = array<i32>} : memref<4x8192xi32, #tpu.memory_space<vmem>>, vector<16xi32>,
      tpu.vector_store %arg8[%parallel_loop3A_479, %parallel_loop3A_480], %parallel_loop3A_477 {strides = array<i32>} : memref<4x8192xi32, #tpu.memory_space<vmem>>, vector<16xi32>,
      %parallel_loop3A_482 = arith.constant 16 : i32
      %parallel_loop3A_483 = vector.broadcast %parallel_loop3A_482 : i32 to vector<16xi32>
      %parallel_loop3A_484 = arith.addi %parallel_loop3A_466, %parallel_loop3A_483 : vector<16xi32>
      scf.yield %parallel_loop3A_484 : vector<16xi32>
    } {sc.loop_unroll_factor = 4 : i64, sc.parallel_access}
    %mul3A_275 = arith.constant 4 : i32
    %mul3A_276 = arith.muli %add3A, %mul3A_275 : i32
    %add3A_277 = arith.constant 1 : i32
    %add3A_278 = arith.addi %mul3A_276, %add3A_277 : i32
    %dma_start3A_279 = arith.constant 1 : i32
    %dma_start3A_280 = arith.constant 0 : i32
    %dma_start3A_281 = tpu.memref_slice %arg8[%dma_start3A_279, %dma_start3A_280] : memref<4x8192xi32, #tpu.memory_space<vmem>> -> memref<1x8192xi32, #tpu.memory_space<vmem>>
    %dma_start3A_282 = tpu.memref_squeeze %dma_start3A_281 : memref<1x8192xi32, #tpu.memory_space<vmem>> -> memref<8192xi32, #tpu.memory_space<vmem>>
    %dma_start3A_283 = arith.constant 0 : i32
    %dma_start3A_284 = tpu.memref_slice %arg4[%add3A_278, %dma_start3A_283] : memref<128x8192xi32, #tpu.memory_space<hbm>> -> memref<1x8192xi32, #tpu.memory_space<hbm>>
    %dma_start3A_285 = tpu.memref_squeeze %dma_start3A_284 : memref<1x8192xi32, #tpu.memory_space<hbm>> -> memref<8192xi32, #tpu.memory_space<hbm>>
    %dma_start3A_286 = arith.constant 0 : i32
    %dma_start3A_287 = tpu.memref_slice %arg4[%add3A_278, %dma_start3A_286] : memref<128x8192xi32, #tpu.memory_space<hbm>> -> memref<1x8192xi32, #tpu.memory_space<hbm>>
    %dma_start3A_288 = tpu.memref_squeeze %dma_start3A_287 : memref<1x8192xi32, #tpu.memory_space<hbm>> -> memref<8192xi32, #tpu.memory_space<hbm>>
    %dma_start3A_289 = arith.constant 0 : i32
    %dma_start3A_290 = tpu.memref_slice %arg8[%dma_start3A_279, %dma_start3A_289] : memref<4x8192xi32, #tpu.memory_space<vmem>> -> memref<1x8192xi32, #tpu.memory_space<vmem>>
    %dma_start3A_291 = tpu.memref_squeeze %dma_start3A_290 : memref<1x8192xi32, #tpu.memory_space<vmem>> -> memref<8192xi32, #tpu.memory_space<vmem>>
    tpu.enqueue_dma source(%dma_start3A_291 : memref<8192xi32, #tpu.memory_space<vmem>>) target(%dma_start3A_288 : memref<8192xi32, #tpu.memory_space<hbm>>) target_semaphore(%arg10 : memref<!tpu.dma_semaphore, #tpu.memory_space<semaphore_mem>>)
    %broadcast_in_dim3A_292 = arith.constant 8 : i32
    %broadcast_in_dim3A_293 = vector.broadcast %broadcast_in_dim3A_292 : i32 to vector<16xi32>
    %broadcast_in_dim3A_294 = arith.constant 4 : i32
    %broadcast_in_dim3A_295 = vector.broadcast %broadcast_in_dim3A_294 : i32 to vector<16xi32>
    %gather3A_296 = tpu.vector_load_idx %arg7[%broadcast_in_dim3A_295, %broadcast_in_dim3A_293] : memref<8x16xi32, #tpu.memory_space<vmem>>[vector<16xi32>, vector<16xi32>], vector<16xi32>,
    %broadcast_in_dim3A_297 = arith.constant 9 : i32
    %broadcast_in_dim3A_298 = vector.broadcast %broadcast_in_dim3A_297 : i32 to vector<16xi32>
    %broadcast_in_dim3A_299 = arith.constant 4 : i32
    %broadcast_in_dim3A_300 = vector.broadcast %broadcast_in_dim3A_299 : i32 to vector<16xi32>
    %gather3A_301 = tpu.vector_load_idx %arg7[%broadcast_in_dim3A_300, %broadcast_in_dim3A_298] : memref<8x16xi32, #tpu.memory_space<vmem>>[vector<16xi32>, vector<16xi32>], vector<16xi32>,
    %broadcast_in_dim3A_302 = arith.constant 10 : i32
    %broadcast_in_dim3A_303 = vector.broadcast %broadcast_in_dim3A_302 : i32 to vector<16xi32>
    %broadcast_in_dim3A_304 = arith.constant 4 : i32
    %broadcast_in_dim3A_305 = vector.broadcast %broadcast_in_dim3A_304 : i32 to vector<16xi32>
    %gather3A_306 = tpu.vector_load_idx %arg7[%broadcast_in_dim3A_305, %broadcast_in_dim3A_303] : memref<8x16xi32, #tpu.memory_space<vmem>>[vector<16xi32>, vector<16xi32>], vector<16xi32>,
    %broadcast_in_dim3A_307 = arith.constant 11 : i32
    %broadcast_in_dim3A_308 = vector.broadcast %broadcast_in_dim3A_307 : i32 to vector<16xi32>
    %broadcast_in_dim3A_309 = arith.constant 4 : i32
    %broadcast_in_dim3A_310 = vector.broadcast %broadcast_in_dim3A_309 : i32 to vector<16xi32>
    %gather3A_311 = tpu.vector_load_idx %arg7[%broadcast_in_dim3A_310, %broadcast_in_dim3A_308] : memref<8x16xi32, #tpu.memory_space<vmem>>[vector<16xi32>, vector<16xi32>], vector<16xi32>,
    %broadcast_in_dim3A_312 = arith.constant 9 : i32
    %broadcast_in_dim3A_313 = vector.broadcast %broadcast_in_dim3A_312 : i32 to vector<16xi32>
    %broadcast_in_dim3A_314 = arith.constant 5 : i32
    %broadcast_in_dim3A_315 = vector.broadcast %broadcast_in_dim3A_314 : i32 to vector<16xi32>
    %gather3A_316 = tpu.vector_load_idx %arg7[%broadcast_in_dim3A_315, %broadcast_in_dim3A_313] : memref<8x16xi32, #tpu.memory_space<vmem>>[vector<16xi32>, vector<16xi32>], vector<16xi32>,
    %broadcast_in_dim3A_317 = arith.constant 10 : i32
    %broadcast_in_dim3A_318 = vector.broadcast %broadcast_in_dim3A_317 : i32 to vector<16xi32>
    %broadcast_in_dim3A_319 = arith.constant 5 : i32
    %broadcast_in_dim3A_320 = vector.broadcast %broadcast_in_dim3A_319 : i32 to vector<16xi32>
    %gather3A_321 = tpu.vector_load_idx %arg7[%broadcast_in_dim3A_320, %broadcast_in_dim3A_318] : memref<8x16xi32, #tpu.memory_space<vmem>>[vector<16xi32>, vector<16xi32>], vector<16xi32>,
    %broadcast_in_dim3A_322 = arith.constant 11 : i32
    %broadcast_in_dim3A_323 = vector.broadcast %broadcast_in_dim3A_322 : i32 to vector<16xi32>
    %broadcast_in_dim3A_324 = arith.constant 5 : i32
    %broadcast_in_dim3A_325 = vector.broadcast %broadcast_in_dim3A_324 : i32 to vector<16xi32>
    %gather3A_326 = tpu.vector_load_idx %arg7[%broadcast_in_dim3A_325, %broadcast_in_dim3A_323] : memref<8x16xi32, #tpu.memory_space<vmem>>[vector<16xi32>, vector<16xi32>], vector<16xi32>,
    %broadcast_in_dim3A_327 = arith.constant 8 : i32
    %broadcast_in_dim3A_328 = vector.broadcast %broadcast_in_dim3A_327 : i32 to vector<16xi32>
    %broadcast_in_dim3A_329 = arith.constant 6 : i32
    %broadcast_in_dim3A_330 = vector.broadcast %broadcast_in_dim3A_329 : i32 to vector<16xi32>
    %gather3A_331 = tpu.vector_load_idx %arg7[%broadcast_in_dim3A_330, %broadcast_in_dim3A_328] : memref<8x16xi32, #tpu.memory_space<vmem>>[vector<16xi32>, vector<16xi32>], vector<16xi32>,
    %parallel_loop3A_332 = arith.constant 0 : i32
    %parallel_loop3A_333 = arith.constant 8192 : i32
    %parallel_loop3A_334 = arith.constant 16 : i32
    %parallel_loop3A_335 = scf.for %parallel_loop3A_465 = %parallel_loop3A_332 to %parallel_loop3A_333 step %parallel_loop3A_334 iter_args(%parallel_loop3A_466 = %iota3A) -> (vector<16xi32>)  : i32 {
      %parallel_loop3A_467 = arith.cmpi sge, %parallel_loop3A_466, %gather3A_326 : vector<16xi32>
      %parallel_loop3A_468 = arith.cmpi sge, %parallel_loop3A_466, %gather3A_321 : vector<16xi32>
      %parallel_loop3A_469 = arith.cmpi sge, %parallel_loop3A_466, %gather3A_316 : vector<16xi32>
      %parallel_loop3A_470 = arith.select %parallel_loop3A_469, %gather3A_301, %gather3A_296 : vector<16xi1>, vector<16xi32>
      %parallel_loop3A_471 = arith.select %parallel_loop3A_468, %gather3A_306, %parallel_loop3A_470 : vector<16xi1>, vector<16xi32>
      %parallel_loop3A_472 = arith.select %parallel_loop3A_467, %gather3A_311, %parallel_loop3A_471 : vector<16xi1>, vector<16xi32>
      %parallel_loop3A_473 = arith.cmpi slt, %parallel_loop3A_466, %gather3A_331 : vector<16xi32>
      %parallel_loop3A_474 = arith.addi %parallel_loop3A_466, %parallel_loop3A_472 : vector<16xi32>
      %parallel_loop3A_475 = arith.constant 8192 : i32
      %parallel_loop3A_476 = vector.broadcast %parallel_loop3A_475 : i32 to vector<16xi32>
      %parallel_loop3A_477 = arith.select %parallel_loop3A_473, %parallel_loop3A_474, %parallel_loop3A_476 : vector<16xi1>, vector<16xi32>
      %parallel_loop3A_478 = arith.constant 2 : i32
      %parallel_loop3A_479 = arith.index_cast %parallel_loop3A_478 : i32 to index
      %parallel_loop3A_480 = arith.index_cast %parallel_loop3A_465 : i32 to index
      %parallel_loop3A_481 = tpu.vector_load %arg8[%parallel_loop3A_479, %parallel_loop3A_480] {strides = array<i32>} : memref<4x8192xi32, #tpu.memory_space<vmem>>, vector<16xi32>,
      tpu.vector_store %arg8[%parallel_loop3A_479, %parallel_loop3A_480], %parallel_loop3A_477 {strides = array<i32>} : memref<4x8192xi32, #tpu.memory_space<vmem>>, vector<16xi32>,
      %parallel_loop3A_482 = arith.constant 16 : i32
      %parallel_loop3A_483 = vector.broadcast %parallel_loop3A_482 : i32 to vector<16xi32>
      %parallel_loop3A_484 = arith.addi %parallel_loop3A_466, %parallel_loop3A_483 : vector<16xi32>
      scf.yield %parallel_loop3A_484 : vector<16xi32>
    } {sc.loop_unroll_factor = 4 : i64, sc.parallel_access}
    %mul3A_336 = arith.constant 4 : i32
    %mul3A_337 = arith.muli %add3A, %mul3A_336 : i32
    %add3A_338 = arith.constant 2 : i32
    %add3A_339 = arith.addi %mul3A_337, %add3A_338 : i32
    %dma_start3A_340 = arith.constant 2 : i32
    %dma_start3A_341 = arith.constant 0 : i32
    %dma_start3A_342 = tpu.memref_slice %arg8[%dma_start3A_340, %dma_start3A_341] : memref<4x8192xi32, #tpu.memory_space<vmem>> -> memref<1x8192xi32, #tpu.memory_space<vmem>>
    %dma_start3A_343 = tpu.memref_squeeze %dma_start3A_342 : memref<1x8192xi32, #tpu.memory_space<vmem>> -> memref<8192xi32, #tpu.memory_space<vmem>>
    %dma_start3A_344 = arith.constant 0 : i32
    %dma_start3A_345 = tpu.memref_slice %arg4[%add3A_339, %dma_start3A_344] : memref<128x8192xi32, #tpu.memory_space<hbm>> -> memref<1x8192xi32, #tpu.memory_space<hbm>>
    %dma_start3A_346 = tpu.memref_squeeze %dma_start3A_345 : memref<1x8192xi32, #tpu.memory_space<hbm>> -> memref<8192xi32, #tpu.memory_space<hbm>>
    %dma_start3A_347 = arith.constant 0 : i32
    %dma_start3A_348 = tpu.memref_slice %arg4[%add3A_339, %dma_start3A_347] : memref<128x8192xi32, #tpu.memory_space<hbm>> -> memref<1x8192xi32, #tpu.memory_space<hbm>>
    %dma_start3A_349 = tpu.memref_squeeze %dma_start3A_348 : memref<1x8192xi32, #tpu.memory_space<hbm>> -> memref<8192xi32, #tpu.memory_space<hbm>>
    %dma_start3A_350 = arith.constant 0 : i32
    %dma_start3A_351 = tpu.memref_slice %arg8[%dma_start3A_340, %dma_start3A_350] : memref<4x8192xi32, #tpu.memory_space<vmem>> -> memref<1x8192xi32, #tpu.memory_space<vmem>>
    %dma_start3A_352 = tpu.memref_squeeze %dma_start3A_351 : memref<1x8192xi32, #tpu.memory_space<vmem>> -> memref<8192xi32, #tpu.memory_space<vmem>>
    tpu.enqueue_dma source(%dma_start3A_352 : memref<8192xi32, #tpu.memory_space<vmem>>) target(%dma_start3A_349 : memref<8192xi32, #tpu.memory_space<hbm>>) target_semaphore(%arg11 : memref<!tpu.dma_semaphore, #tpu.memory_space<semaphore_mem>>)
    %broadcast_in_dim3A_353 = arith.constant 12 : i32
    %broadcast_in_dim3A_354 = vector.broadcast %broadcast_in_dim3A_353 : i32 to vector<16xi32>
    %broadcast_in_dim3A_355 = arith.constant 4 : i32
    %broadcast_in_dim3A_356 = vector.broadcast %broadcast_in_dim3A_355 : i32 to vector<16xi32>
    %gather3A_357 = tpu.vector_load_idx %arg7[%broadcast_in_dim3A_356, %broadcast_in_dim3A_354] : memref<8x16xi32, #tpu.memory_space<vmem>>[vector<16xi32>, vector<16xi32>], vector<16xi32>,
    %broadcast_in_dim3A_358 = arith.constant 13 : i32
    %broadcast_in_dim3A_359 = vector.broadcast %broadcast_in_dim3A_358 : i32 to vector<16xi32>
    %broadcast_in_dim3A_360 = arith.constant 4 : i32
    %broadcast_in_dim3A_361 = vector.broadcast %broadcast_in_dim3A_360 : i32 to vector<16xi32>
    %gather3A_362 = tpu.vector_load_idx %arg7[%broadcast_in_dim3A_361, %broadcast_in_dim3A_359] : memref<8x16xi32, #tpu.memory_space<vmem>>[vector<16xi32>, vector<16xi32>], vector<16xi32>,
    %broadcast_in_dim3A_363 = arith.constant 14 : i32
    %broadcast_in_dim3A_364 = vector.broadcast %broadcast_in_dim3A_363 : i32 to vector<16xi32>
    %broadcast_in_dim3A_365 = arith.constant 4 : i32
    %broadcast_in_dim3A_366 = vector.broadcast %broadcast_in_dim3A_365 : i32 to vector<16xi32>
    %gather3A_367 = tpu.vector_load_idx %arg7[%broadcast_in_dim3A_366, %broadcast_in_dim3A_364] : memref<8x16xi32, #tpu.memory_space<vmem>>[vector<16xi32>, vector<16xi32>], vector<16xi32>,
    %broadcast_in_dim3A_368 = arith.constant 15 : i32
    %broadcast_in_dim3A_369 = vector.broadcast %broadcast_in_dim3A_368 : i32 to vector<16xi32>
    %broadcast_in_dim3A_370 = arith.constant 4 : i32
    %broadcast_in_dim3A_371 = vector.broadcast %broadcast_in_dim3A_370 : i32 to vector<16xi32>
    %gather3A_372 = tpu.vector_load_idx %arg7[%broadcast_in_dim3A_371, %broadcast_in_dim3A_369] : memref<8x16xi32, #tpu.memory_space<vmem>>[vector<16xi32>, vector<16xi32>], vector<16xi32>,
    %broadcast_in_dim3A_373 = arith.constant 13 : i32
    %broadcast_in_dim3A_374 = vector.broadcast %broadcast_in_dim3A_373 : i32 to vector<16xi32>
    %broadcast_in_dim3A_375 = arith.constant 5 : i32
    %broadcast_in_dim3A_376 = vector.broadcast %broadcast_in_dim3A_375 : i32 to vector<16xi32>
    %gather3A_377 = tpu.vector_load_idx %arg7[%broadcast_in_dim3A_376, %broadcast_in_dim3A_374] : memref<8x16xi32, #tpu.memory_space<vmem>>[vector<16xi32>, vector<16xi32>], vector<16xi32>,
    %broadcast_in_dim3A_378 = arith.constant 14 : i32
    %broadcast_in_dim3A_379 = vector.broadcast %broadcast_in_dim3A_378 : i32 to vector<16xi32>
    %broadcast_in_dim3A_380 = arith.constant 5 : i32
    %broadcast_in_dim3A_381 = vector.broadcast %broadcast_in_dim3A_380 : i32 to vector<16xi32>
    %gather3A_382 = tpu.vector_load_idx %arg7[%broadcast_in_dim3A_381, %broadcast_in_dim3A_379] : memref<8x16xi32, #tpu.memory_space<vmem>>[vector<16xi32>, vector<16xi32>], vector<16xi32>,
    %broadcast_in_dim3A_383 = arith.constant 15 : i32
    %broadcast_in_dim3A_384 = vector.broadcast %broadcast_in_dim3A_383 : i32 to vector<16xi32>
    %broadcast_in_dim3A_385 = arith.constant 5 : i32
    %broadcast_in_dim3A_386 = vector.broadcast %broadcast_in_dim3A_385 : i32 to vector<16xi32>
    %gather3A_387 = tpu.vector_load_idx %arg7[%broadcast_in_dim3A_386, %broadcast_in_dim3A_384] : memref<8x16xi32, #tpu.memory_space<vmem>>[vector<16xi32>, vector<16xi32>], vector<16xi32>,
    %broadcast_in_dim3A_388 = arith.constant 12 : i32
    %broadcast_in_dim3A_389 = vector.broadcast %broadcast_in_dim3A_388 : i32 to vector<16xi32>
    %broadcast_in_dim3A_390 = arith.constant 6 : i32
    %broadcast_in_dim3A_391 = vector.broadcast %broadcast_in_dim3A_390 : i32 to vector<16xi32>
    %gather3A_392 = tpu.vector_load_idx %arg7[%broadcast_in_dim3A_391, %broadcast_in_dim3A_389] : memref<8x16xi32, #tpu.memory_space<vmem>>[vector<16xi32>, vector<16xi32>], vector<16xi32>,
    %parallel_loop3A_393 = arith.constant 0 : i32
    %parallel_loop3A_394 = arith.constant 8192 : i32
    %parallel_loop3A_395 = arith.constant 16 : i32
    %parallel_loop3A_396 = scf.for %parallel_loop3A_465 = %parallel_loop3A_393 to %parallel_loop3A_394 step %parallel_loop3A_395 iter_args(%parallel_loop3A_466 = %iota3A) -> (vector<16xi32>)  : i32 {
      %parallel_loop3A_467 = arith.cmpi sge, %parallel_loop3A_466, %gather3A_387 : vector<16xi32>
      %parallel_loop3A_468 = arith.cmpi sge, %parallel_loop3A_466, %gather3A_382 : vector<16xi32>
      %parallel_loop3A_469 = arith.cmpi sge, %parallel_loop3A_466, %gather3A_377 : vector<16xi32>
      %parallel_loop3A_470 = arith.select %parallel_loop3A_469, %gather3A_362, %gather3A_357 : vector<16xi1>, vector<16xi32>
      %parallel_loop3A_471 = arith.select %parallel_loop3A_468, %gather3A_367, %parallel_loop3A_470 : vector<16xi1>, vector<16xi32>
      %parallel_loop3A_472 = arith.select %parallel_loop3A_467, %gather3A_372, %parallel_loop3A_471 : vector<16xi1>, vector<16xi32>
      %parallel_loop3A_473 = arith.cmpi slt, %parallel_loop3A_466, %gather3A_392 : vector<16xi32>
      %parallel_loop3A_474 = arith.addi %parallel_loop3A_466, %parallel_loop3A_472 : vector<16xi32>
      %parallel_loop3A_475 = arith.constant 8192 : i32
      %parallel_loop3A_476 = vector.broadcast %parallel_loop3A_475 : i32 to vector<16xi32>
      %parallel_loop3A_477 = arith.select %parallel_loop3A_473, %parallel_loop3A_474, %parallel_loop3A_476 : vector<16xi1>, vector<16xi32>
      %parallel_loop3A_478 = arith.constant 3 : i32
      %parallel_loop3A_479 = arith.index_cast %parallel_loop3A_478 : i32 to index
      %parallel_loop3A_480 = arith.index_cast %parallel_loop3A_465 : i32 to index
      %parallel_loop3A_481 = tpu.vector_load %arg8[%parallel_loop3A_479, %parallel_loop3A_480] {strides = array<i32>} : memref<4x8192xi32, #tpu.memory_space<vmem>>, vector<16xi32>,
      tpu.vector_store %arg8[%parallel_loop3A_479, %parallel_loop3A_480], %parallel_loop3A_477 {strides = array<i32>} : memref<4x8192xi32, #tpu.memory_space<vmem>>, vector<16xi32>,
      %parallel_loop3A_482 = arith.constant 16 : i32
      %parallel_loop3A_483 = vector.broadcast %parallel_loop3A_482 : i32 to vector<16xi32>
      %parallel_loop3A_484 = arith.addi %parallel_loop3A_466, %parallel_loop3A_483 : vector<16xi32>
      scf.yield %parallel_loop3A_484 : vector<16xi32>
    } {sc.loop_unroll_factor = 4 : i64, sc.parallel_access}
    %mul3A_397 = arith.constant 4 : i32
    %mul3A_398 = arith.muli %add3A, %mul3A_397 : i32
    %add3A_399 = arith.constant 3 : i32
    %add3A_400 = arith.addi %mul3A_398, %add3A_399 : i32
    %dma_start3A_401 = arith.constant 3 : i32
    %dma_start3A_402 = arith.constant 0 : i32
    %dma_start3A_403 = tpu.memref_slice %arg8[%dma_start3A_401, %dma_start3A_402] : memref<4x8192xi32, #tpu.memory_space<vmem>> -> memref<1x8192xi32, #tpu.memory_space<vmem>>
    %dma_start3A_404 = tpu.memref_squeeze %dma_start3A_403 : memref<1x8192xi32, #tpu.memory_space<vmem>> -> memref<8192xi32, #tpu.memory_space<vmem>>
    %dma_start3A_405 = arith.constant 0 : i32
    %dma_start3A_406 = tpu.memref_slice %arg4[%add3A_400, %dma_start3A_405] : memref<128x8192xi32, #tpu.memory_space<hbm>> -> memref<1x8192xi32, #tpu.memory_space<hbm>>
    %dma_start3A_407 = tpu.memref_squeeze %dma_start3A_406 : memref<1x8192xi32, #tpu.memory_space<hbm>> -> memref<8192xi32, #tpu.memory_space<hbm>>
    %dma_start3A_408 = arith.constant 0 : i32
    %dma_start3A_409 = tpu.memref_slice %arg4[%add3A_400, %dma_start3A_408] : memref<128x8192xi32, #tpu.memory_space<hbm>> -> memref<1x8192xi32, #tpu.memory_space<hbm>>
    %dma_start3A_410 = tpu.memref_squeeze %dma_start3A_409 : memref<1x8192xi32, #tpu.memory_space<hbm>> -> memref<8192xi32, #tpu.memory_space<hbm>>
    %dma_start3A_411 = arith.constant 0 : i32
    %dma_start3A_412 = tpu.memref_slice %arg8[%dma_start3A_401, %dma_start3A_411] : memref<4x8192xi32, #tpu.memory_space<vmem>> -> memref<1x8192xi32, #tpu.memory_space<vmem>>
    %dma_start3A_413 = tpu.memref_squeeze %dma_start3A_412 : memref<1x8192xi32, #tpu.memory_space<vmem>> -> memref<8192xi32, #tpu.memory_space<vmem>>
    tpu.enqueue_dma source(%dma_start3A_413 : memref<8192xi32, #tpu.memory_space<vmem>>) target(%dma_start3A_410 : memref<8192xi32, #tpu.memory_space<hbm>>) target_semaphore(%arg12 : memref<!tpu.dma_semaphore, #tpu.memory_space<semaphore_mem>>)
    %dma_wait3A = arith.constant 0 : i32
    %dma_wait3A_414 = arith.constant 0 : i32
    %dma_wait3A_415 = tpu.memref_slice %arg8[%dma_wait3A, %dma_wait3A_414] : memref<4x8192xi32, #tpu.memory_space<vmem>> -> memref<1x8192xi32, #tpu.memory_space<vmem>>
    %dma_wait3A_416 = tpu.memref_squeeze %dma_wait3A_415 : memref<1x8192xi32, #tpu.memory_space<vmem>> -> memref<8192xi32, #tpu.memory_space<vmem>>
    %dma_wait3A_417 = arith.constant 0 : i32
    %dma_wait3A_418 = tpu.memref_slice %arg4[%add3A_218, %dma_wait3A_417] : memref<128x8192xi32, #tpu.memory_space<hbm>> -> memref<1x8192xi32, #tpu.memory_space<hbm>>
    %dma_wait3A_419 = tpu.memref_squeeze %dma_wait3A_418 : memref<1x8192xi32, #tpu.memory_space<hbm>> -> memref<8192xi32, #tpu.memory_space<hbm>>
    %dma_wait3A_420 = arith.constant 0 : i32
    %dma_wait3A_421 = tpu.memref_slice %arg4[%add3A_218, %dma_wait3A_420] : memref<128x8192xi32, #tpu.memory_space<hbm>> -> memref<1x8192xi32, #tpu.memory_space<hbm>>
    %dma_wait3A_422 = tpu.memref_squeeze %dma_wait3A_421 : memref<1x8192xi32, #tpu.memory_space<hbm>> -> memref<8192xi32, #tpu.memory_space<hbm>>
    %dma_wait3A_423 = arith.constant 0 : i32
    %dma_wait3A_424 = tpu.memref_slice %arg8[%dma_wait3A, %dma_wait3A_423] : memref<4x8192xi32, #tpu.memory_space<vmem>> -> memref<1x8192xi32, #tpu.memory_space<vmem>>
    %dma_wait3A_425 = tpu.memref_squeeze %dma_wait3A_424 : memref<1x8192xi32, #tpu.memory_space<vmem>> -> memref<8192xi32, #tpu.memory_space<vmem>>
    tpu.wait_dma2 semaphore(%arg9 : memref<!tpu.dma_semaphore, #tpu.memory_space<semaphore_mem>>) src(%dma_wait3A_425 : memref<8192xi32, #tpu.memory_space<vmem>>) dst(%dma_wait3A_422 : memref<8192xi32, #tpu.memory_space<hbm>>)
    %dma_wait3A_426 = arith.constant 1 : i32
    %dma_wait3A_427 = arith.constant 0 : i32
    %dma_wait3A_428 = tpu.memref_slice %arg8[%dma_wait3A_426, %dma_wait3A_427] : memref<4x8192xi32, #tpu.memory_space<vmem>> -> memref<1x8192xi32, #tpu.memory_space<vmem>>
    %dma_wait3A_429 = tpu.memref_squeeze %dma_wait3A_428 : memref<1x8192xi32, #tpu.memory_space<vmem>> -> memref<8192xi32, #tpu.memory_space<vmem>>
    %dma_wait3A_430 = arith.constant 0 : i32
    %dma_wait3A_431 = tpu.memref_slice %arg4[%add3A_278, %dma_wait3A_430] : memref<128x8192xi32, #tpu.memory_space<hbm>> -> memref<1x8192xi32, #tpu.memory_space<hbm>>
    %dma_wait3A_432 = tpu.memref_squeeze %dma_wait3A_431 : memref<1x8192xi32, #tpu.memory_space<hbm>> -> memref<8192xi32, #tpu.memory_space<hbm>>
    %dma_wait3A_433 = arith.constant 0 : i32
    %dma_wait3A_434 = tpu.memref_slice %arg4[%add3A_278, %dma_wait3A_433] : memref<128x8192xi32, #tpu.memory_space<hbm>> -> memref<1x8192xi32, #tpu.memory_space<hbm>>
    %dma_wait3A_435 = tpu.memref_squeeze %dma_wait3A_434 : memref<1x8192xi32, #tpu.memory_space<hbm>> -> memref<8192xi32, #tpu.memory_space<hbm>>
    %dma_wait3A_436 = arith.constant 0 : i32
    %dma_wait3A_437 = tpu.memref_slice %arg8[%dma_wait3A_426, %dma_wait3A_436] : memref<4x8192xi32, #tpu.memory_space<vmem>> -> memref<1x8192xi32, #tpu.memory_space<vmem>>
    %dma_wait3A_438 = tpu.memref_squeeze %dma_wait3A_437 : memref<1x8192xi32, #tpu.memory_space<vmem>> -> memref<8192xi32, #tpu.memory_space<vmem>>
    tpu.wait_dma2 semaphore(%arg10 : memref<!tpu.dma_semaphore, #tpu.memory_space<semaphore_mem>>) src(%dma_wait3A_438 : memref<8192xi32, #tpu.memory_space<vmem>>) dst(%dma_wait3A_435 : memref<8192xi32, #tpu.memory_space<hbm>>)
    %dma_wait3A_439 = arith.constant 2 : i32
    %dma_wait3A_440 = arith.constant 0 : i32
    %dma_wait3A_441 = tpu.memref_slice %arg8[%dma_wait3A_439, %dma_wait3A_440] : memref<4x8192xi32, #tpu.memory_space<vmem>> -> memref<1x8192xi32, #tpu.memory_space<vmem>>
    %dma_wait3A_442 = tpu.memref_squeeze %dma_wait3A_441 : memref<1x8192xi32, #tpu.memory_space<vmem>> -> memref<8192xi32, #tpu.memory_space<vmem>>
    %dma_wait3A_443 = arith.constant 0 : i32
    %dma_wait3A_444 = tpu.memref_slice %arg4[%add3A_339, %dma_wait3A_443] : memref<128x8192xi32, #tpu.memory_space<hbm>> -> memref<1x8192xi32, #tpu.memory_space<hbm>>
    %dma_wait3A_445 = tpu.memref_squeeze %dma_wait3A_444 : memref<1x8192xi32, #tpu.memory_space<hbm>> -> memref<8192xi32, #tpu.memory_space<hbm>>
    %dma_wait3A_446 = arith.constant 0 : i32
    %dma_wait3A_447 = tpu.memref_slice %arg4[%add3A_339, %dma_wait3A_446] : memref<128x8192xi32, #tpu.memory_space<hbm>> -> memref<1x8192xi32, #tpu.memory_space<hbm>>
    %dma_wait3A_448 = tpu.memref_squeeze %dma_wait3A_447 : memref<1x8192xi32, #tpu.memory_space<hbm>> -> memref<8192xi32, #tpu.memory_space<hbm>>
    %dma_wait3A_449 = arith.constant 0 : i32
    %dma_wait3A_450 = tpu.memref_slice %arg8[%dma_wait3A_439, %dma_wait3A_449] : memref<4x8192xi32, #tpu.memory_space<vmem>> -> memref<1x8192xi32, #tpu.memory_space<vmem>>
    %dma_wait3A_451 = tpu.memref_squeeze %dma_wait3A_450 : memref<1x8192xi32, #tpu.memory_space<vmem>> -> memref<8192xi32, #tpu.memory_space<vmem>>
    tpu.wait_dma2 semaphore(%arg11 : memref<!tpu.dma_semaphore, #tpu.memory_space<semaphore_mem>>) src(%dma_wait3A_451 : memref<8192xi32, #tpu.memory_space<vmem>>) dst(%dma_wait3A_448 : memref<8192xi32, #tpu.memory_space<hbm>>)
    %dma_wait3A_452 = arith.constant 3 : i32
    %dma_wait3A_453 = arith.constant 0 : i32
    %dma_wait3A_454 = tpu.memref_slice %arg8[%dma_wait3A_452, %dma_wait3A_453] : memref<4x8192xi32, #tpu.memory_space<vmem>> -> memref<1x8192xi32, #tpu.memory_space<vmem>>
    %dma_wait3A_455 = tpu.memref_squeeze %dma_wait3A_454 : memref<1x8192xi32, #tpu.memory_space<vmem>> -> memref<8192xi32, #tpu.memory_space<vmem>>
    %dma_wait3A_456 = arith.constant 0 : i32
    %dma_wait3A_457 = tpu.memref_slice %arg4[%add3A_400, %dma_wait3A_456] : memref<128x8192xi32, #tpu.memory_space<hbm>> -> memref<1x8192xi32, #tpu.memory_space<hbm>>
    %dma_wait3A_458 = tpu.memref_squeeze %dma_wait3A_457 : memref<1x8192xi32, #tpu.memory_space<hbm>> -> memref<8192xi32, #tpu.memory_space<hbm>>
    %dma_wait3A_459 = arith.constant 0 : i32
    %dma_wait3A_460 = tpu.memref_slice %arg4[%add3A_400, %dma_wait3A_459] : memref<128x8192xi32, #tpu.memory_space<hbm>> -> memref<1x8192xi32, #tpu.memory_space<hbm>>
    %dma_wait3A_461 = tpu.memref_squeeze %dma_wait3A_460 : memref<1x8192xi32, #tpu.memory_space<hbm>> -> memref<8192xi32, #tpu.memory_space<hbm>>
    %dma_wait3A_462 = arith.constant 0 : i32
    %dma_wait3A_463 = tpu.memref_slice %arg8[%dma_wait3A_452, %dma_wait3A_462] : memref<4x8192xi32, #tpu.memory_space<vmem>> -> memref<1x8192xi32, #tpu.memory_space<vmem>>
    %dma_wait3A_464 = tpu.memref_squeeze %dma_wait3A_463 : memref<1x8192xi32, #tpu.memory_space<vmem>> -> memref<8192xi32, #tpu.memory_space<vmem>>
    tpu.wait_dma2 semaphore(%arg12 : memref<!tpu.dma_semaphore, #tpu.memory_space<semaphore_mem>>) src(%dma_wait3A_464 : memref<8192xi32, #tpu.memory_space<vmem>>) dst(%dma_wait3A_461 : memref<8192xi32, #tpu.memory_space<hbm>>)
    return
  }
}

module attributes {stable_mosaic.version = 14 : i64} {
  func.func @_masks_body(%arg0: i32, %arg1: memref<2x32x4xf32, #tpu.memory_space<vmem>>, %arg2: memref<32x8192xi32, #tpu.memory_space<vmem>>) attributes {dimension_semantics = [#tpu.dimension_semantics<arbitrary>], iteration_bounds = array<i64: 4>, scalar_prefetch = 0 : i64, scratch_operands = 0 : i64, tpu.core_type = #tpu.core_type<tc>, window_params = [{transform_indices = @transform_0, window_bounds = array<i64: 2, 32, 4>}, {transform_indices = @transform_1, window_bounds = array<i64: 32, 8192>}]} {
    %get3A = arith.constant 0 : index
    %get3A_0 = arith.constant 0 : index
    %get3A_1 = arith.constant 0 : index
    %get3A_2 = vector.load %arg1[%get3A, %get3A_0, %get3A_1] : memref<2x32x4xf32, #tpu.memory_space<vmem>>, vector<1x32x4xf32>
    %get3A_3 = vector.shape_cast %get3A_2 : vector<1x32x4xf32> to vector<32x4xf32>
    %get3A_4 = arith.constant 1 : index
    %get3A_5 = arith.constant 0 : index
    %get3A_6 = arith.constant 0 : index
    %get3A_7 = vector.load %arg1[%get3A_4, %get3A_5, %get3A_6] : memref<2x32x4xf32, #tpu.memory_space<vmem>>, vector<1x32x4xf32>
    %get3A_8 = vector.shape_cast %get3A_7 : vector<1x32x4xf32> to vector<32x4xf32>
    %mul3A = arith.constant 8.192000e+03 : f32
    %mul3A_9 = vector.broadcast %mul3A : f32 to vector<32x4xf32>
    %mul3A_10 = arith.mulf %get3A_3, %mul3A_9 : vector<32x4xf32>
    %convert_element_type3A = arith.fptosi %mul3A_10 : vector<32x4xf32> to vector<32x4xi32>
    %max3A = arith.constant 1 : i32
    %max3A_11 = vector.broadcast %max3A : i32 to vector<32x4xi32>
    %max3A_12 = arith.maxsi %convert_element_type3A, %max3A_11 : vector<32x4xi32>
    %sub3A = arith.constant 8192 : i32
    %sub3A_13 = vector.broadcast %sub3A : i32 to vector<32x4xi32>
    %sub3A_14 = arith.subi %sub3A_13, %max3A_12 : vector<32x4xi32>
    %max3A_15 = arith.constant 0 : i32
    %max3A_16 = vector.broadcast %max3A_15 : i32 to vector<32x4xi32>
    %max3A_17 = arith.maxsi %sub3A_14, %max3A_16 : vector<32x4xi32>
    %convert_element_type3A_18 = arith.sitofp %max3A_17 : vector<32x4xi32> to vector<32x4xf32>
    %add3A = arith.constant 1.000000e+00 : f32
    %add3A_19 = vector.broadcast %add3A : f32 to vector<32x4xf32>
    %add3A_20 = arith.addf %convert_element_type3A_18, %add3A_19 : vector<32x4xf32>
    %mul3A_21 = arith.mulf %get3A_8, %add3A_20 : vector<32x4xf32>
    %convert_element_type3A_22 = arith.fptosi %mul3A_21 : vector<32x4xf32> to vector<32x4xi32>
    %add3A_23 = arith.addi %convert_element_type3A_22, %max3A_12 : vector<32x4xi32>
    %min3A = arith.constant 8192 : i32
    %min3A_24 = vector.broadcast %min3A : i32 to vector<32x4xi32>
    %min3A_25 = arith.minsi %add3A_23, %min3A_24 : vector<32x4xi32>
    %convert_element_type3A_26 = arith.trunci %convert_element_type3A_22 : vector<32x4xi32> to vector<32x4xi16>
    %convert_element_type3A_27 = arith.trunci %min3A_25 : vector<32x4xi32> to vector<32x4xi16>
    %iota3A = tpu.iota {dimensions = array<i32: 1>} : vector<32x8192xi16>
    %slice3A = vector.extract_strided_slice %convert_element_type3A_26 {offsets = [0, 0], sizes = [32, 1], strides = [1, 1]} : vector<32x4xi16> to vector<32x1xi16>
    %ge3A = vector.broadcast %slice3A : vector<32x1xi16> to vector<32x8192xi16>
    %ge3A_28 = arith.cmpi sge, %iota3A, %ge3A : vector<32x8192xi16>
    %slice3A_29 = vector.extract_strided_slice %convert_element_type3A_27 {offsets = [0, 0], sizes = [32, 1], strides = [1, 1]} : vector<32x4xi16> to vector<32x1xi16>
    %lt3A = vector.broadcast %slice3A_29 : vector<32x1xi16> to vector<32x8192xi16>
    %lt3A_30 = arith.cmpi slt, %iota3A, %lt3A : vector<32x8192xi16>
    %and3A = arith.andi %ge3A_28, %lt3A_30 : vector<32x8192xi1>
    %slice3A_31 = vector.extract_strided_slice %convert_element_type3A_26 {offsets = [0, 1], sizes = [32, 1], strides = [1, 1]} : vector<32x4xi16> to vector<32x1xi16>
    %ge3A_32 = vector.broadcast %slice3A_31 : vector<32x1xi16> to vector<32x8192xi16>
    %ge3A_33 = arith.cmpi sge, %iota3A, %ge3A_32 : vector<32x8192xi16>
    %slice3A_34 = vector.extract_strided_slice %convert_element_type3A_27 {offsets = [0, 1], sizes = [32, 1], strides = [1, 1]} : vector<32x4xi16> to vector<32x1xi16>
    %lt3A_35 = vector.broadcast %slice3A_34 : vector<32x1xi16> to vector<32x8192xi16>
    %lt3A_36 = arith.cmpi slt, %iota3A, %lt3A_35 : vector<32x8192xi16>
    %and3A_37 = arith.andi %ge3A_33, %lt3A_36 : vector<32x8192xi1>
    %or3A = arith.ori %and3A, %and3A_37 : vector<32x8192xi1>
    %slice3A_38 = vector.extract_strided_slice %convert_element_type3A_26 {offsets = [0, 2], sizes = [32, 1], strides = [1, 1]} : vector<32x4xi16> to vector<32x1xi16>
    %ge3A_39 = vector.broadcast %slice3A_38 : vector<32x1xi16> to vector<32x8192xi16>
    %ge3A_40 = arith.cmpi sge, %iota3A, %ge3A_39 : vector<32x8192xi16>
    %slice3A_41 = vector.extract_strided_slice %convert_element_type3A_27 {offsets = [0, 2], sizes = [32, 1], strides = [1, 1]} : vector<32x4xi16> to vector<32x1xi16>
    %lt3A_42 = vector.broadcast %slice3A_41 : vector<32x1xi16> to vector<32x8192xi16>
    %lt3A_43 = arith.cmpi slt, %iota3A, %lt3A_42 : vector<32x8192xi16>
    %and3A_44 = arith.andi %ge3A_40, %lt3A_43 : vector<32x8192xi1>
    %or3A_45 = arith.ori %or3A, %and3A_44 : vector<32x8192xi1>
    %slice3A_46 = vector.extract_strided_slice %convert_element_type3A_26 {offsets = [0, 3], sizes = [32, 1], strides = [1, 1]} : vector<32x4xi16> to vector<32x1xi16>
    %ge3A_47 = vector.broadcast %slice3A_46 : vector<32x1xi16> to vector<32x8192xi16>
    %ge3A_48 = arith.cmpi sge, %iota3A, %ge3A_47 : vector<32x8192xi16>
    %slice3A_49 = vector.extract_strided_slice %convert_element_type3A_27 {offsets = [0, 3], sizes = [32, 1], strides = [1, 1]} : vector<32x4xi16> to vector<32x1xi16>
    %lt3A_50 = vector.broadcast %slice3A_49 : vector<32x1xi16> to vector<32x8192xi16>
    %lt3A_51 = arith.cmpi slt, %iota3A, %lt3A_50 : vector<32x8192xi16>
    %and3A_52 = arith.andi %ge3A_48, %lt3A_51 : vector<32x8192xi1>
    %or3A_53 = arith.ori %or3A_45, %and3A_52 : vector<32x8192xi1>
    %swap3A = arith.constant 0 : index
    %swap3A_54 = arith.constant 0 : index
    %swap3A_55 = vector.load %arg2[%swap3A, %swap3A_54] : memref<32x8192xi32, #tpu.memory_space<vmem>>, vector<32x8192xi32>
    %swap3A_56 = arith.extui %or3A_53 : vector<32x8192xi1> to vector<32x8192xi32>
    %swap3A_57 = arith.constant dense<0> : vector<32x8192xi32>
    %swap3A_58 = arith.cmpi ne, %swap3A_55, %swap3A_57 : vector<32x8192xi32>
    tpu.vector_store %arg2[%swap3A, %swap3A_54], %swap3A_56 {strides = array<i32>} : memref<32x8192xi32, #tpu.memory_space<vmem>>, vector<32x8192xi32>,
    return
  }
  func.func @transform_0(%arg0: i32) -> (i32, i32, i32) {
    %c0_i32 = arith.constant 0 : i32
    %c0_i32_0 = arith.constant 0 : i32
    %c0_i32_1 = arith.constant 0 : i32
    return %c0_i32, %arg0, %c0_i32_0 : i32, i32, i32
  }
  func.func @transform_1(%arg0: i32) -> (i32, i32) {
    %c0_i32 = arith.constant 0 : i32
    %c0_i32_0 = arith.constant 0 : i32
    return %arg0, %c0_i32 : i32, i32
  }
}

</mosaic_0001>

<sc_bundles>
// kernel: kernel.4.cloned.1.call-start
scs
__scs_entry_jumppad:
0x0: {  	(pc) =	sbr.rel $0x88, $3  }
0x1: {  	(tag) =	ssettag $0x0;
	lr =	simm.s32 $0x1  }
0x2: {  	[smem:$0x3F9F] =	sst lr;
	_ =	strace $0xD0000000  }
0x3: {  	_ = 	snop  }
0x4: {  	_ = 	snop  }
0x5: {  	_ = 	snop  }
0x6: {  	_ = 	snop  }
0x7: {  	_ = 	snop  }
__scs_overlays_trampoline_lowered:
0x8: {  	[smem:$0x3FAE] =	sst s0  }
0x9: {  	[smem:$0x3FAF] =	sst s1  }
0xa: {  	[smem:$0x3FB0] =	sst s2  }
0xb: {  	[smem:$0x3FB1] =	sst s3  }
0xc: {  	[smem:$0x3FB2] =	sst s4  }
0xd: {  	[smem:$0x3FB3] =	sst s5  }
0xe: {  	[smem:$0x3FB4] =	sst s6  }
0xf: {  	[smem:$0x3FB5] =	sst s7  }
0x10: {  	[smem:$0x3FB6] =	sst s8  }
0x11: {  	[smem:$0x3FB7] =	sst s9;
	s0 =	simm.s32 @!p0 $0x0  }
0x12: {  	s1 =	sld [smem:$0x3F9D];
	s0 =	simm.s32 @p0 $0x1  }
0x13: {  	[smem:$0x3FB8] =	sst s0;
	s0 =	simm.s32 @!p1 $0x0  }
0x14: {  	s2 =	sld [smem:$0x3F9C];
	s0 =	simm.s32 @p1 $0x1  }
0x15: {  	[smem:$0x3FB9] =	sst s0;
	s0 =	simm.s32 @!p2 $0x0  }
0x16: {  	s3 =	sld [smem:$0x3FDB];
	s0 =	simm.s32 @p2 $0x1  }
0x17: {  	s4 =	simm.s32 $0x1BF5;
	[smem:$0x3FBB] =	sst s0  }
0x18: {  	s0 =	sld [smem:$0x3F9E];
	_ =	swait.ge [sflag:s4], $0x0  }
0x19: {  	s7 =	sld [smem:$0x3F9F]  }
0x1a: {  	s8 =	sadd.s32 $0xFFFFE003, lr  }
0x1b: {  	s9 =	sadd.s32 $0xFFFFFEF7, lr;
	s5 =	simm.s32 $0xFFFFFFFF;
	p2 =	slt.u32 s8, $0xFFFFF086  }
0x1c: {  	p1 =	slt.u32 s9, $0xF7A;
	s5 =	simm.s32 @!p2 $0x0  }
0x1d: {  	s5 =	simm.s32 @p1 $0x1;
	p0 =	seq.s32 s7, s2  }
0x1e: {  	s7 =	smul.u32 @!p0 $0xF7A, s2;
	p2 =	seq.s32 @!p0 s5, $0x0  }
0x1f: {  	s9 =	smul.u32 $0xF7A, s1;
	s8 =	simm.s32 @!p0 $0x1BF5;
	p2 =	por !p2, p0  }
0x20: {  	[sflag:s8] =	ssyncset.s32 @!p0 $0xFFFFF086;
	s6 =	sadd.s32 @!p0 s3, s7;
	s7 =	simm.s32 @!p0 $0x108  }
0x21: {  	s3 =	sadd.s32 s3, s9;
	s6 =	sadd.s32 @!p0 $0x88, s6;
	s7 =	simm.s32 @p2 $0x1082  }
0x22: {  	[simem:s7], [sflag:s8] =	dma.local @!p0 [hbm:s6], $0xF7A  }
0x23: {  	s9 =	sor.u32 $0xD0000000, s2;
	s6 =	simm.s32 $0x108;
	_ =	swait.ge @!p0 [sflag:s8], $0x0  }
0x24: {  	s3 =	sadd.s32 $0x88, s3;
	s6 =	simm.s32 @!p1 $0x1082;
	[sflag:s4] =	ssyncset.s32 $0xFFFFF086  }
0x25: {  	[simem:s6], [sflag:s4] =	dma.local [hbm:s3], $0xF7A  }
0x26: {  	[smem:$0x3F9F] =	sst s1;
	(tag) =	ssettag s2;
	_ =	strace s9  }
0x27: {  	s1 =	sld [smem:$0x3FAF]  }
0x28: {  	s2 =	sld [smem:$0x3FB0]  }
0x29: {  	s4 =	sld [smem:$0x3FB2]  }
0x2a: {  	p0 =	seq.s32 s5, $0x0;
	s5 =	sld [smem:$0x3FB3]  }
0x2b: {  	s6 =	sld [smem:$0x3FB4]  }
0x2c: {  	s7 =	sld [smem:$0x3FB5]  }
0x2d: {  	s3 =	simm.s32 $0x108;
	s8 =	sld [smem:$0x3FB6]  }
0x2e: {  	s3 =	simm.s32 @!p0 $0x1082;
	s9 =	sld [smem:$0x3FB7]  }
0x2f: {  	lr =	sadd.s32 s0, s3;
	s0 =	sld [smem:$0x3FAE]  }
0x30: {  	s3 =	sld [smem:$0x3FB1]  }
0x31: {  	[smem:$0x3FBA] =	sst s10  }
0x32: {  	s10 =	sld [smem:$0x3FB8];
	_ =	sdelay $0x3  }
0x33: {  	p0 =	seq.s32 s10, $0x1;
	s10 =	sld [smem:$0x3FBA];
	_ =	sdelay $0x3  }
0x34: {  	[smem:$0x3FBA] =	sst s10  }
0x35: {  	s10 =	sld [smem:$0x3FB9];
	_ =	sdelay $0x3  }
0x36: {  	p1 =	seq.s32 s10, $0x1;
	s10 =	sld [smem:$0x3FBA];
	_ =	sdelay $0x3  }
0x37: {  	[smem:$0x3FBA] =	sst s10  }
0x38: {  	s10 =	sld [smem:$0x3FBB]  }
0x39: {  	_ = 	snop;
	(pc) =	sbr.ind lr, $3  }
0x3a: {  	_ = 	snop  }
0x3b: {  	_ = 	snop  }
0x3c: {  	p2 =	seq.s32 s10, $0x1;
	s10 =	sld [smem:$0x3FBA]  }
0x3d: {  	_ =	shalt  }
0x3e: {  	_ =	shalt  }
0x3f: {  	_ =	shalt  }
0x40: {  	_ =	shalt  }
0x41: {  	_ =	shalt  }
0x42: {  	_ =	shalt  }
0x43: {  	_ =	shalt  }
0x44: {  	_ =	shalt  }
0x45: {  	_ =	shalt  }
0x46: {  	_ =	shalt  }
0x47: {  	_ =	shalt  }
0x48: {  	_ =	shalt  }
0x49: {  	_ =	shalt  }
0x4a: {  	_ =	shalt  }
0x4b: {  	_ =	shalt  }
0x4c: {  	_ =	shalt  }
0x4d: {  	_ =	shalt  }
0x4e: {  	_ =	shalt  }
0x4f: {  	_ =	shalt  }
0x50: {  	_ =	shalt  }
0x51: {  	_ =	shalt  }
0x52: {  	_ =	shalt  }
0x53: {  	_ =	shalt  }
0x54: {  	_ =	shalt  }
0x55: {  	_ =	shalt  }
0x56: {  	_ =	shalt  }
0x57: {  	_ =	shalt  }
0x58: {  	_ =	shalt  }
0x59: {  	_ =	shalt  }
0x5a: {  	_ =	shalt  }
0x5b: {  	_ =	shalt  }
0x5c: {  	_ =	shalt  }
0x5d: {  	_ =	shalt  }
0x5e: {  	_ =	shalt  }
0x5f: {  	_ =	shalt  }
0x60: {  	_ =	shalt  }
0x61: {  	_ =	shalt  }
0x62: {  	_ =	shalt  }
0x63: {  	_ =	shalt  }
0x64: {  	_ =	shalt  }
0x65: {  	_ =	shalt  }
0x66: {  	_ =	shalt  }
0x67: {  	_ =	shalt  }
0x68: {  	_ =	shalt  }
0x69: {  	_ =	shalt  }
0x6a: {  	_ =	shalt  }
0x6b: {  	_ =	shalt  }
0x6c: {  	_ =	shalt  }
0x6d: {  	_ =	shalt  }
0x6e: {  	_ =	shalt  }
0x6f: {  	_ =	shalt  }
0x70: {  	_ =	shalt  }
0x71: {  	_ =	shalt  }
0x72: {  	_ =	shalt  }
0x73: {  	_ =	shalt  }
0x74: {  	_ =	shalt  }
0x75: {  	_ =	shalt  }
0x76: {  	_ =	shalt  }
0x77: {  	_ =	shalt  }
0x78: {  	_ =	shalt  }
0x79: {  	_ =	shalt  }
0x7a: {  	_ =	shalt  }
0x7b: {  	_ =	shalt  }
0x7c: {  	_ =	shalt  }
0x7d: {  	_ =	shalt  }
0x7e: {  	_ =	shalt  }
0x7f: {  	_ =	shalt  }
0x80: {  	_ =	shalt  }
0x81: {  	_ =	shalt  }
0x82: {  	_ =	shalt  }
0x83: {  	_ =	shalt  }
0x84: {  	_ =	shalt  }
0x85: {  	_ =	shalt  }
0x86: {  	_ =	shalt  }
0x87: {  	_ =	shalt  }
.Lfunc_end0:
.L_simem_size_0:
called_computation_lowered:
.L_overlay_start_0:
0x88: {  	s2 =	sld [smem:$0x3FD9]  }
0x89: {  	s3 =	sld [smem:$0x3FFE];
	_ =	sdelay $0x1  }
0x8a: {  	s1 =	srdreg.scid  }
0x8b: {  	s0 =	sand.u32 $0x1, s1  }
0x8c: {  	s15 =	sshll.u32 s0, $0xA;
	s2 =	sadd.s32 s3, s2  }
0x8d: {  	s2 =	sadd.s32 s2, s15  }
0x8e: {  	[smem:$0x3FC6] =	sst s2  }
0x8f: {  	_ = 	snop  }
0x90: {  	s2 =	sld [smem:$0x3FD0];
	_ =	sdelay $0x1  }
0x91: {  	s16 =	sld [smem:$0x3FC9]  }
0x92: {  	s5 =	simm.s32 $0xA;
	s6 =	simm.s32 $0x10;
	s4 =	sld [smem:$0x3FC8]  }
0x93: {  	[smem:s6], [sflag:s5] =	dma.local [hbm:s2], $0x1  }
0x94: {  	_ =	swait.eq [sflag:s5], $0x1  }
0x95: {  	[sflag:s5] =	ssyncset.done $0x0  }
0x96: {  	[sflag:s5] =	ssyncadd.s32 $0xFFFFFFFF  }
0x97: {  	s17 =	sld [smem:$0x12];
	(tm) =	ssettm $0x1  }
0x98: {  	s18 =	sld [smem:$0x3FFB];
	_ =	sdelay $0x3  }
0x99: {  	_ =	strace s18  }
0x9a: {  	s5 =	sld [smem:$0x3FFC];
	_ =	sdelay $0x3  }
0x9b: {  	_ =	strace s5  }
0x9c: {  	s5 =	sld [smem:$0x3FFD];
	_ =	sdelay $0x3  }
0x9d: {  	_ =	strace s5  }
0x9e: {  	_ =	strace $0x8FFFFFFF  }
0x9f: {  	s19 =	sld [smem:$0x3FDB];
	_ =	sdelay $0x1  }
0xa0: {  	s20 =	simm.s32 $_scs_section_size  }
0xa1: {  	s7 =	simm.s32 $_size__tile_overlayer_lowered;
	s8 =	simm.s32 $_tile_overlayer_lowered  }
0xa2: {  	s23 =	simm.s32 $0x1BFF;
	s22 =	sshll.u32 s8, $0x1;
	s5 =	sadd.s32 s20, s19  }
0xa3: {  	s9 =	simm.s32 $0x0;
	s21 =	sshll.u32 s7, $0x1;
	s7 =	sadd.s32 s22, s5  }
0xa4: {  	[timem:s9], [sflag:s23] =	dma.local [hbm:s7], s21  }
0xa5: {  	_ =	swait.ge [sflag:s23], s21  }
0xa6: {  	s6 =	ssub.s32 $0x0, s21;
	[sflag:s23] =	ssyncset.done $0x0  }
0xa7: {  	[sflag:s23] =	ssyncadd.s32 s6;
	_ =	sdelay $0x1  }
0xa8: {  	s24 =	simm.s32 $0x1B8B  }
0xa9: {  	_ =	swait.ge [sflag:s24], $0x1  }
0xaa: {  	[sflag:s24] =	ssyncset.done $0x0  }
0xab: {  	s25 =	simm.s32 $0x1B8E;
	[sflag:s24] =	ssyncadd.s32 $0xFFFFFFFF  }
0xac: {  	s26 =	simm.s32 $execute0_lowered;
	[smem:$0x3FD2] =	sst s25  }
0xad: {  	s6 =	sshll.u32 s26, $0x1;
	_ =	strace $0x80000046;
	[dreg:$0x1] =	wrdreg $0xFFFFFFFF  }
0xae: {  	s28 =	simm.s32 $_size_execute0_lowered;
	s5 =	sadd.s32 s5, s6;
	[dreg:$0x0] =	wrdreg $0x0  }
0xaf: {  	s6 =	sshll.u32 s28, $0x1;
	[dreg:$0x2] =	wrdreg s5  }
0xb0: {  	[dreg:$0x3] =	wrdreg s6  }
0xb1: {  	[dreg:$0x4] =	wrdreg $0xC0  }
0xb2: {  	_ =	task [dreg:s9], $0x5FFFF  }
0xb3: {  	[dreg:$0x1] =	wrdreg $0xFFFFFFFF  }
0xb4: {  	[dreg:$0x0] =	wrdreg $0x60  }
0xb5: {  	[dreg:$0x2] =	wrdreg s16  }
0xb6: {  	[dreg:$0x3] =	wrdreg s4  }
0xb7: {  	[dreg:$0x4] =	wrdreg s17  }
0xb8: {  	[dreg:$0x5] =	wrdreg $0x9  }
0xb9: {  	_ =	task.clear_ibuf [dreg:s9], $0x6FFFF;
	_ =	strace $0x90000046  }
0xba: {  	s29 =	simm.s32 $0x9;
	_ =	strace $0x80000048  }
0xbb: {  	_ =	swait.ge [sflag:s29], $0x1  }
0xbc: {  	[sflag:s29] =	ssyncadd.s32 $0xFFFFFFFF  }
0xbd: {  	_ =	strace $0x90000048  }
0xbe: {  	_ =	sfence  }
0xbf: {  	s30 =	sld [smem:$0x0];
	_ =	sdelay $0x2  }
0xc0: {  	s31 =	sshll.u32 s1, $0xD;
	s1 =	sshrl.u32 s1, $0x2  }
0xc1: {  	s3 =	sand.u32 $0x4000, s31;
	s1 =	sadd.s32 s1, s30  }
0xc2: {  	s0 =	sor.u32 s3, s0;
	s1 =	sshll.u32 s1, $0x11  }
0xc3: {  	s0 =	sor.u32 s1, s0  }
0xc4: {  	s0 =	sadd.s32 $0x8F2B, s0  }
0xc5: {  	[sflag:s0] =	ssyncadd.remote.s32 $0x1  }
0xc6: {  	_ =	sfence.sel $0xFFFF  }
0xc7: {  	[dreg:$0x0] =	wrdreg $0xFFFFFFFF;
	(pc) =	sbr.abs _section_cstart, $3  }
0xc8: {  	[dreg:$0x1] =	wrdreg $0xFFFFFFFF  }
0xc9: {  	_ =	task.clear_ibuf [dreg:s9], $0x2FFFF;
	_ =	strace $0x9FFFFFFF  }
0xca: {  	(tm) =	ssettm $0x7FFFFFFF  }
0xcb: {  	_ =	shalt  }
tec
execute0_lowered:
.L_overlay_start_1:
0x0: {  	(tag) =	ssettag $0x1  }
0x1: {  	v0 =	vimm.s32 $0xEDCBA987  }
0x2: {  	v1 =	vimm.s32 $0x65432100;
	vm3 =	vcmask $0x1310;
	vm4 =	vcmask $0x300  }
0x3: {  	vm1 =	vcmask $0x2320;
	vm2 =	vcmask $0x3330;
	vm5 =	vcmask $0xF00  }
0x4: {  	v2 =	vimm.s32 $0x8000001B;
	vm12 =	vcmask $0x1F10;
	vm13 =	vcmask $0x704  }
0x5: {  	vm14 =	vcmask $0xB08;
	v3 =	vimm.s32 $0x8A898887;
	vm15 =	vcmask $0xF0C  }
0x6: {  	vm6 =	vcmask $0x2F20;
	v4 =	vimm.s32 $0x8E8D8C8B;
	v5 =	vimm.s32 $0x82818080  }
0x7: {  	v6 =	vimm.s32 $0x86858483;
	v7 =	vimm.s32 $0x203;
	v8 =	vimm.s32 $0x281  }
0x8: {  	v9 =	vimm.s32 $0x282;
	v10 =	vimm.s32 $0x283;
	v11 =	vimm.s32 $0x300  }
0x9: {  	v12 =	vimm.s32 $0x204;
	v13 =	vimm.s32 $0x205;
	v14 =	vimm.s32 $0x206  }
0xa: {  	v15 =	vimm.s32 $0x207;
	v16 =	vimm.s32 $0x285;
	v17 =	vimm.s32 $0x286  }
0xb: {  	v18 =	vimm.s32 $0x287;
	v19 =	vimm.s32 $0x304;
	v20 =	vimm.s32 $0x208  }
0xc: {  	v21 =	vimm.s32 $0x209;
	v22 =	vimm.s32 $0x20A;
	v23 =	vimm.s32 $0x20B  }
0xd: {  	v24 =	vimm.s32 $0x289;
	v25 =	vimm.s32 $0x28A;
	v26 =	vimm.s32 $0x28B  }
0xe: {  	v27 =	vimm.s32 $0x308;
	v28 =	vimm.s32 $0x20C;
	v29 =	vimm.s32 $0x20D  }
0xf: {  	v30 =	vimm.s32 $0x20E;
	v31 =	vimm.s32 $0x20F;
	v32 =	vimm.s32 $0x28D  }
0x10: {  	v33 =	vimm.s32 $0x28E;
	v34 =	vimm.s32 $0x28F;
	v35 =	vimm.s32 $0x30C  }
0x11: {  	v0 =	vunpack.c.l.s4.s8 v0;
	v1 =	vunpack.c.l.s4.s8 v1;
	vm0 =	vmor vm4, vm3  }
0x12: {  	v2 =	vsel vm4, $0x80000000, v2;
	v3 =	vunpack.c.0.s8.s32 v3;
	v4 =	vunpack.c.0.s8.s32 v4  }
0x13: {  	v5 =	vunpack.c.0.s8.s32 v5;
	v6 =	vunpack.c.0.s8.s32 v6;
	v2 =	vsel vm13, $0x80000001, v2  }
0x14: {  	s3 =	rddreg [dreg:$0x0];
	vm0 =	vmor vm0, vm1;
	v0 =	vunpack.c.0.s8.s32 v0;
	v2 =	vsel vm14, $0x80000002, v2  }
0x15: {  	s4 =	rddreg [dreg:$0x1];
	v1 =	vunpack.c.0.s8.s32 v1;
	vm0 =	vmor vm0, vm2;
	v2 =	vsel vm15, $0x80000003, v2  }
0x16: {  	s5 =	rddreg [dreg:$0x2];
	s2 =	srdreg.scid;
	v3 =	vsel vm12, v4, v3;
	v2 =	vsel vm3, $0x80000008, v2;
	vm3 =	vcmask $0x1714  }
0x17: {  	s0 =	rddreg [dreg:$0x3];
	s1 =	simm.s32 $0x0;
	s13 =	simm.s32 $0x1;
	v4 =	vsel vm12, v6, v5;
	v2 =	vsel vm3, $0x80000009, v2;
	vm3 =	vcmask $0x1B18  }
0x18: {  	s14 =	simm.s32 $0x2;
	s15 =	simm.s32 $0x3;
	s16 =	simm.s32 $0x4;
	v5 =	vimm.s32 $0x201;
	v2 =	vsel vm3, $0x8000000A, v2;
	vm3 =	vcmask $0x1F1C  }
0x19: {  	s17 =	simm.s32 $0x0;
	s6 =	sand.u32 $0x1, s2;
	[smem:$0x7FF] =	sst s1;
	v6 =	vimm.s32 $0x202;
	v0 =	vand.u32 $0xF, v0;
	v2 =	vsel vm3, $0x8000000B, v2  }
0x1a: {  	s2 =	stileid.u32;
	s7 =	ssub.s32 $0x2, s6;
	_ =	strace $0x80000047;
	v0 =	vcombine.low v1, v0;
	v2 =	vsel vm1, $0x80000010, v2;
	vm1 =	vcmask $0x2724  }
0x1b: {  	s9 =	sshll.u32 s2, $0x2;
	s10 =	sshll.u32 s6, $0x1;
	s6 =	sshll.u32 s6, $0x6;
	v1 =	vimm.s32 $0x8B;
	v2 =	vsel vm1, $0x80000011, v2;
	vm1 =	vcmask $0x2B28  }
0x1c: {  	s11 =	sshll.u32 s2, $0xD;
	s8 =	sshrl.u32 s7, $0x1;
	s31 =	sor.u32 s10, s9;
	v1 =	vsel vm5, $0x80, v1;
	v2 =	vsel vm1, $0x80000012, v2;
	vm1 =	vcmask $0x2F2C  }
0x1d: {  	s6 =	sor.u32 s6, s11;
	s10 =	simm.s32 $0x5;
	s11 =	simm.s32 $0x80;
	v3 =	vcombine.low v4, v3;
	v1 =	vsel vm12, $0x83, v1;
	v2 =	vsel vm1, $0x80000013, v2  }
0x1e: {  	s12 =	ssub.s32 s7, s8;
	s3 =	sadd.s32 s3, s31;
	s5 =	sadd.s32 s5, s6;
	v1 =	vsel vm6, $0x87, v1;
	v4 =	vsel vm2, $0x80000018, v2;
	vm2 =	vcmask $0x3734  }
0x1f: {  	s4 =	sadd.s32 s4, s31;
	s6 =	sadd.s32 $0x10, s5;
	s7 =	sadd.s32 $0x20, s5;
	v2 =	vand.u32 $0xFF, v3;
	v3 =	vsel vm2, $0x80000019, v4;
	vm2 =	vcmask $0x3B38  }
0x20: {  	s8 =	sadd.s32 $0x30, s5;
	s9 =	smax.u32 s12, $0x1;
	s12 =	simm.s32 $0x100;
	vm1 =	vmmov $0xf;
	v4 =	vimm.s32 $0x200;
	v3 =	vsel vm2, $0x8000001A, v3  }
.LBB2_1:
0x21: {  	[tilespmem:s1], [sflag:$0x5] =	stream.linear.gather [hbm4b:s3+s1], $0x10, $0x38;
	[tilespmem:$0x8500] =	vst v63  }
0x22: {  	_ =	swait.ge [sflag:s10], $0x10  }
0x23: {  	[sflag:s10] =	ssyncset.done $0x0  }
0x24: {  	[sflag:s10] =	ssyncadd.s32 $0xFFFFFFF0  }
0x25: {  	[tilespmem:s11], [sflag:$0x5] =	stream.linear.gather [hbm4b:s4+s1], $0x10, $0x38;
	[tilespmem:$0x8500] =	vst v63  }
0x26: {  	_ =	swait.ge [sflag:s10], $0x10  }
0x27: {  	[sflag:s10] =	ssyncset.done $0x0  }
0x28: {  	[sflag:s10] =	ssyncadd.s32 $0xFFFFFFF0  }
0x29: {  	v36 =	vld [tilespmem:$0x0];
	_ =	sdelay $0x4  }
0x2a: {  	v36 =	vmul.f32 $8.192000000e+03, v36;
	_ =	sdelay $0x1  }
0x2b: {  	v36 =	vtrunc.f32 v36  }
0x2c: {  	v36 =	vcvt.f32.s32 v36;
	_ =	sdelay $0x1  }
0x2d: {  	vm2 =	vgt.s32 v36, $0x1  }
0x2e: {  	v36 =	vnsel vm2, $0x1, v36  }
0x2f: {  	v37 =	vsub.s32 $0x2000, v36  }
0x30: {  	vm2 =	vgt.s32 v37, $0x0  }
0x31: {  	v38 =	vld [tilespmem:$0x80];
	v37 =	vnsel vm2, $0x0, v37  }
0x32: {  	v37 =	vcvt.s32.f32 v37;
	_ =	sdelay $0x1  }
0x33: {  	v37 =	vadd.f32 $1.000000000e+00, v37;
	_ =	sdelay $0x1  }
0x34: {  	v37 =	vmul.f32 v37, v38;
	_ =	sdelay $0x1  }
0x35: {  	v44 =	vlaneseq.u32;
	v37 =	vtrunc.f32 v37  }
0x36: {  	v55 =	vshrl.u32 v44, $0x2;
	v37 =	vcvt.f32.s32 v37  }
0x37: {  	v39 =	vmul.u32 $0x4000, v55  }
0x38: {  	v36 =	vadd.s32 v37, v36  }
0x39: {  	v37 =	vadd.s32 v39, v37;
	vm2 =	vlt.s32 v36, $0x2000  }
0x3a: {  	v37 =	vxor.u32 $0x80000000, v37;
	v36 =	vnsel vm2, $0x2000, v36  }
0x3b: {  	(xrf1) =	vsort.ascd.msk.u32 $0xffff, v37, v36;
	_ =	sdelay $0xd  }
0x3c: {  	v36, v37, _ =	vpop (xrf1)  }
0x3d: {  	v39 =	vadd.s32 v39, v37  }
0x3e: {  	v39 =	vxor.u32 $0x80000000, v39  }
0x3f: {  	(xrf0) =	vmax.scan.msk.u32 $0xffff, v39;
	_ =	sdelay $0x5  }
0x40: {  	v40 =	vmul.u32 $0xFFFFC000, v55;
	v39, _, _ =	vpop (xrf0)  }
0x41: {  	v39 =	vxor.u32 $0x80000000, v39  }
0x42: {  	v39 =	vadd.s32 v40, v39  }
0x43: {  	[tilespmem:$0x100] =	vst v39  }
0x44: {  	v39 =	vld.idx.msk [tilespmem:v0+s12+$0x0], $0xffff;
	_ =	sdelay $0x4  }
0x45: {  	v36 =	vand.u32 $0x3FFF, v36;
	v39 =	vsel vm0, $0x0, v39  }
0x46: {  	vm2 =	vgt.s32 v36, v39  }
0x47: {  	v39 =	vsel vm2, v36, v39  }
0x48: {  	v37 =	vsub.s32 v37, v39  }
0x49: {  	vm3 =	vgt.s32 v37, $0x0  }
0x4a: {  	v37 =	vnsel vm3, $0x0, v37  }
0x4b: {  	(xrf0) =	vadd.scan.msk.s32 $0xffff, v37  }
0x4c: {  	v56 =	vmul.u32 $0x8, v55;
	_ =	sdelay $0x1  }
0x4d: {  	v37 =	vor.u32 $0x80000000, v56  }
0x4e: {  	v37 =	vsel vm2, v3, v37  }
0x4f: {  	(xrf0) =	vmax.scan.msk.u32 $0xffff, v37  }
0x50: {  	v57, _, _ =	vpop (xrf0)  }
0x51: {  	[tilespmem:$0x180] =	vst v57  }
0x52: {  	v37 =	vld.idx.msk [tilespmem:v1+s12+$0x0], $0xffff  }
0x53: {  	v59 =	vmul.u32 $0x4, v55;
	v58 =	vld.idx.msk [tilespmem:v2+s12+$0x0], $0xffff  }
0x54: {  	v38 =	vmul.u32 $0xFFFFFFFC, v55  }
0x55: {  	v40 =	vor.u32 $0x83, v59;
	v41, _, _ =	vpop (xrf0)  }
0x56: {  	v42 =	vadd.s32 $0x100, v38;
	v41 =	vxor.u32 $0x80000000, v41  }
0x57: {  	v42 =	vadd.s32 v42, v41;
	v38 =	vadd.s32 v38, v41;
	v37 =	vsel vm1, $0x0, v37  }
0x58: {  	v38 =	vadd.s32 $0x180, v38;
	v39 =	vsub.s32 v58, v37  }
0x59: {  	v39 =	vsel vm0, $0x0, v39  }
0x5a: {  	v40 =	vld.idx.msk [tilespmem:v40+s12+$0x0], $0xffff;
	v36 =	vsub.s32 v36, v39  }
0x5b: {  	[tilespmem:$0x200] =	vst v36  }
0x5c: {  	v36 =	vld.idx.msk [tilespmem:v42+s12+$0x0], $0xffff;
	[tilespmem:$0x280] =	vst v39  }
0x5d: {  	v38 =	vld.idx.msk [tilespmem:v38+s12+$0x0], $0xffff;
	_ =	sdelay $0x1  }
0x5e: {  	v60 =	vsub.s32 v40, v37  }
0x5f: {  	[tilespmem:$0x400] =	vst v60  }
0x60: {  	[tilespmem:$0x300] =	vst v36  }
0x61: {  	[tilespmem:$0x380] =	vst v38  }
0x62: {  	v36 =	vld.idx.msk [tilespmem:v4+s12+$0x0], $0xffff  }
0x63: {  	v37 =	vld.idx.msk [tilespmem:v5+s12+$0x0], $0xffff  }
0x64: {  	v38 =	vld.idx.msk [tilespmem:v8+s12+$0x0], $0xffff  }
0x65: {  	v40 =	vld.idx.msk [tilespmem:v9+s12+$0x0], $0xffff  }
0x66: {  	v41 =	vld.idx.msk [tilespmem:v10+s12+$0x0], $0xffff  }
0x67: {  	v43 =	vld.idx.msk [tilespmem:v11+s12+$0x0], $0xffff  }
0x68: {  	v45 =	vadd.s32 $0x10, v44  }
0x69: {  	v46 =	vadd.s32 $0x20, v44;
	v47 =	vadd.s32 $0x30, v44;
	v39 =	vld.idx.msk [tilespmem:v6+s12+$0x0], $0xffff;
	vm2 =	vlt.s32 v45, v38  }
0x6a: {  	v42 =	vld.idx.msk [tilespmem:v7+s12+$0x0], $0xffff;
	vm3 =	vlt.s32 v46, v38;
	vm4 =	vlt.s32 v47, v38;
	vm5 =	vlt.s32 v44, v38  }
0x6b: {  	vm6 =	vlt.s32 v47, v40;
	vm12 =	vlt.s32 v44, v40;
	vm13 =	vlt.s32 v46, v40  }
0x6c: {  	vm14 =	vlt.s32 v46, v41;
	vm15 =	vlt.s32 v46, v43;
	v48 =	vsel vm4, v36, v37  }
0x6d: {  	v49 =	vsel vm2, v36, v37;
	vm2 =	vlt.s32 v47, v41;
	v50 =	vsel vm5, v36, v37  }
0x6e: {  	v51 =	vsel vm3, v36, v37;
	vm3 =	vlt.s32 v47, v43;
	v48 =	vsel vm6, v48, v39  }
0x6f: {  	v61 =	vsel vm12, v50, v39;
	v62 =	vsel vm13, v51, v39;
	v48 =	vsel vm2, v48, v42  }
0x70: {  	vm2 =	vlt.s32 v45, v40;
	v50 =	vsel vm14, v62, v42;
	v47 =	vadd.s32 v47, v48  }
0x71: {  	s18 =	simm.s32 $0x0;
	v49 =	vsel vm2, v49, v39;
	v47 =	vnsel vm3, $0x2000, v47;
	vm3 =	vlt.s32 v45, v41  }
0x72: {  	s20 =	sand.u32 $0x7E00, s1;
	s19 =	sand.u32 $0x40, s18;
	vm2 =	vlt.s32 v44, v41;
	v50 =	vadd.s32 v46, v50;
	v49 =	vsel vm3, v49, v42  }
0x73: {  	s20 =	sor.u32 s19, s20;
	v48 =	vsel vm2, v61, v42;
	vm2 =	vlt.s32 v45, v43;
	v49 =	vadd.s32 v45, v49  }
0x74: {  	v48 =	vadd.s32 v44, v48;
	[tilespmem:s20+$0x530] =	vst v47;
	vm3 =	vlt.s32 v44, v43;
	v63 =	vnsel vm2, $0x2000, v49  }
0x75: {  	s19 =	simm.s32 $0x0;
	v46 =	vnsel vm15, $0x2000, v50;
	v44 =	vadd.s32 $0x40, v44;
	v45 =	vnsel vm3, $0x2000, v48;
	[tilespmem:s20+$0x510] =	vst v63  }
.LBB2_2:
0x76: {  	v47 =	vadd.s32 $0x10, v44;
	v48 =	vadd.s32 $0x20, v44;
	v49 =	vadd.s32 $0x30, v44;
	[tilespmem:s20+$0x520] =	vst v46  }
0x77: {  	vm2 =	vlt.s32 v47, v38;
	vm3 =	vlt.s32 v48, v38;
	vm4 =	vlt.s32 v49, v38;
	[tilespmem:s20+$0x500] =	vst v45  }
0x78: {  	vm5 =	vlt.s32 v44, v38;
	vm6 =	vlt.s32 v49, v40;
	v45 =	vsel vm4, v36, v37  }
0x79: {  	v46 =	vsel vm2, v36, v37;
	vm2 =	vlt.s32 v49, v41;
	v45 =	vsel vm6, v45, v39  }
0x7a: {  	s18 =	sadd.s32 $0x40, s18;
	s19 =	sadd.s32 $0x100, s19;
	v50 =	vsel vm5, v36, v37;
	v51 =	vsel vm3, v36, v37;
	v45 =	vsel vm2, v45, v42  }
0x7b: {  	s20 =	sand.u32 $0x40, s18;
	s21 =	sand.u32 $0x7E00, s19;
	p0 =	slt.u32 s18, $0x1FC0;
	vm3 =	vlt.s32 v49, v43;
	vm2 =	vlt.s32 v47, v40;
	v45 =	vadd.s32 v49, v45  }
0x7c: {  	vm5 =	vlt.s32 v48, v40;
	vm4 =	vlt.s32 v44, v40;
	s20 =	sor.u32 s20, s21;
	v45 =	vnsel vm3, $0x2000, v45  }
0x7d: {  	v49 =	vsel vm4, v50, v39;
	v46 =	vsel vm2, v46, v39;
	v50 =	vsel vm5, v51, v39;
	[tilespmem:s20+$0x530] =	vst v45  }
0x7e: {  	vm2 =	vlt.s32 v44, v41;
	vm4 =	vlt.s32 v48, v41;
	vm3 =	vlt.s32 v47, v41  }
.Ltmp0:
0x7f: {  	v45 =	vsel vm2, v49, v42;
	v46 =	vsel vm3, v46, v42;
	v49 =	vsel vm4, v50, v42;
	(pc) =	sbr.rel @p0 .LBB2_2-.Ltmp0, $4  }
0x80: {  	v45 =	vadd.s32 v44, v45;
	v46 =	vadd.s32 v47, v46;
	v49 =	vadd.s32 v48, v49  }
0x81: {  	vm2 =	vlt.s32 v44, v43;
	vm3 =	vlt.s32 v47, v43;
	vm4 =	vlt.s32 v48, v43  }
0x82: {  	v45 =	vnsel vm2, $0x2000, v45;
	v47 =	vnsel vm3, $0x2000, v46;
	v46 =	vnsel vm4, $0x2000, v49  }
0x83: {  	v44 =	vadd.s32 $0x40, v44;
	[tilespmem:s20+$0x510] =	vst v47  }
0x84: {  	[tilespmem:s20+$0x520] =	vst v46;
	s18 =	simm.s32 $0x500  }
0x85: {  	[tilespmem:s20+$0x500] =	vst v45;
	s19 =	simm.s32 $0x80;
	s21 =	sadd.s32 $0x0, s5;
	s20 =	simm.s32 $0x700  }
.LBB2_4:
0x86: {  	[hbm4b:s21+s1] =	stream.linear.scatter [tilespmem:s18], [sflag:$0x1], $0x80, $0x38;
	[tilespmem:$0x8500] =	vst v63  }
0x87: {  	s21 =	smov.u32 s19;
	s18 =	smov.u32 s20;
	p0 =	sne.s32 s19, $0x1F80  }
.Ltmp1:
0x88: {  	s19 =	sadd.s32 $0x80, s19;
	(pc) =	sbr.rel @p0 .LBB2_4-.Ltmp1, $2  }
0x89: {  	_ =	sdelay $0x2  }
0x8a: {  	s20 =	sadd.s32 $0x200, s20;
	s21 =	sadd.s32 s21, s5  }
0x8b: {  	_ =	sdelay $0x2  }
0x8c: {  	[hbm4b:s21+s1] =	stream.linear.scatter [tilespmem:s18], [sflag:$0x1], $0x80, $0x38;
	[tilespmem:$0x8500] =	vst v63  }
0x8d: {  	v36 =	vld.idx.msk [tilespmem:v12+s12+$0x0], $0xffff  }
0x8e: {  	v37 =	vld.idx.msk [tilespmem:v13+s12+$0x0], $0xffff  }
0x8f: {  	v38 =	vld.idx.msk [tilespmem:v16+s12+$0x0], $0xffff  }
0x90: {  	v40 =	vld.idx.msk [tilespmem:v17+s12+$0x0], $0xffff  }
0x91: {  	v41 =	vld.idx.msk [tilespmem:v18+s12+$0x0], $0xffff  }
0x92: {  	v44 =	vlaneseq.u32;
	v43 =	vld.idx.msk [tilespmem:v19+s12+$0x0], $0xffff  }
0x93: {  	v45 =	vadd.s32 $0x10, v44  }
0x94: {  	v39 =	vld.idx.msk [tilespmem:v14+s12+$0x0], $0xffff;
	v46 =	vadd.s32 $0x20, v44;
	v47 =	vadd.s32 $0x30, v44;
	vm2 =	vlt.s32 v45, v38  }
0x95: {  	v42 =	vld.idx.msk [tilespmem:v15+s12+$0x0], $0xffff;
	vm3 =	vlt.s32 v46, v38;
	vm4 =	vlt.s32 v47, v38;
	vm5 =	vlt.s32 v44, v38  }
0x96: {  	vm6 =	vlt.s32 v47, v40;
	vm12 =	vlt.s32 v44, v40;
	vm13 =	vlt.s32 v46, v40  }
0x97: {  	vm14 =	vlt.s32 v46, v41;
	vm15 =	vlt.s32 v46, v43;
	v48 =	vsel vm4, v36, v37  }
0x98: {  	v49 =	vsel vm2, v36, v37;
	vm2 =	vlt.s32 v47, v41;
	v50 =	vsel vm5, v36, v37  }
0x99: {  	v51 =	vsel vm3, v36, v37;
	vm3 =	vlt.s32 v47, v43;
	v48 =	vsel vm6, v48, v39  }
0x9a: {  	v61 =	vsel vm12, v50, v39;
	v62 =	vsel vm13, v51, v39;
	v48 =	vsel vm2, v48, v42  }
0x9b: {  	vm2 =	vlt.s32 v45, v40;
	v50 =	vsel vm14, v62, v42;
	v47 =	vadd.s32 v47, v48  }
0x9c: {  	s18 =	simm.s32 $0x0;
	s19 =	simm.s32 $0x0;
	v49 =	vsel vm2, v49, v39;
	v47 =	vnsel vm3, $0x2000, v47;
	vm3 =	vlt.s32 v45, v41  }
0x9d: {  	s20 =	sand.u32 $0x40, s19;
	s31 =	sand.u32 $0x7E00, s18;
	vm2 =	vlt.s32 v44, v41;
	v50 =	vadd.s32 v46, v50;
	v49 =	vsel vm3, v49, v42  }
0x9e: {  	s20 =	sor.u32 s20, s31;
	v48 =	vsel vm2, v61, v42;
	vm2 =	vlt.s32 v45, v43;
	v49 =	vadd.s32 v45, v49  }
0x9f: {  	v48 =	vadd.s32 v44, v48;
	[tilespmem:s20+$0x5B0] =	vst v47;
	vm3 =	vlt.s32 v44, v43;
	v63 =	vnsel vm2, $0x2000, v49  }
0xa0: {  	v46 =	vnsel vm15, $0x2000, v50;
	v44 =	vadd.s32 $0x40, v44;
	v45 =	vnsel vm3, $0x2000, v48;
	[tilespmem:s20+$0x590] =	vst v63  }
.LBB2_6:
0xa1: {  	v47 =	vadd.s32 $0x10, v44;
	v48 =	vadd.s32 $0x20, v44;
	v49 =	vadd.s32 $0x30, v44;
	[tilespmem:s20+$0x5A0] =	vst v46  }
0xa2: {  	vm2 =	vlt.s32 v47, v38;
	vm3 =	vlt.s32 v48, v38;
	vm4 =	vlt.s32 v49, v38;
	[tilespmem:s20+$0x580] =	vst v45  }
0xa3: {  	vm5 =	vlt.s32 v44, v38;
	vm6 =	vlt.s32 v49, v40;
	v45 =	vsel vm4, v36, v37  }
0xa4: {  	v46 =	vsel vm2, v36, v37;
	vm2 =	vlt.s32 v49, v41;
	v45 =	vsel vm6, v45, v39  }
0xa5: {  	s19 =	sadd.s32 $0x40, s19;
	s18 =	sadd.s32 $0x100, s18;
	v50 =	vsel vm5, v36, v37;
	v51 =	vsel vm3, v36, v37;
	v45 =	vsel vm2, v45, v42  }
0xa6: {  	s20 =	sand.u32 $0x40, s19;
	s21 =	sand.u32 $0x7E00, s18;
	p0 =	slt.u32 s19, $0x1FC0;
	vm3 =	vlt.s32 v49, v43;
	vm2 =	vlt.s32 v47, v40;
	v45 =	vadd.s32 v49, v45  }
0xa7: {  	vm5 =	vlt.s32 v48, v40;
	vm4 =	vlt.s32 v44, v40;
	s20 =	sor.u32 s20, s21;
	v45 =	vnsel vm3, $0x2000, v45  }
0xa8: {  	v49 =	vsel vm4, v50, v39;
	v46 =	vsel vm2, v46, v39;
	v50 =	vsel vm5, v51, v39;
	[tilespmem:s20+$0x5B0] =	vst v45  }
0xa9: {  	vm2 =	vlt.s32 v44, v41;
	vm4 =	vlt.s32 v48, v41;
	vm3 =	vlt.s32 v47, v41  }
.Ltmp2:
0xaa: {  	v45 =	vsel vm2, v49, v42;
	v46 =	vsel vm3, v46, v42;
	v49 =	vsel vm4, v50, v42;
	(pc) =	sbr.rel @p0 .LBB2_6-.Ltmp2, $4  }
0xab: {  	v45 =	vadd.s32 v44, v45;
	v46 =	vadd.s32 v47, v46;
	v49 =	vadd.s32 v48, v49  }
0xac: {  	vm2 =	vlt.s32 v44, v43;
	vm3 =	vlt.s32 v47, v43;
	vm4 =	vlt.s32 v48, v43  }
0xad: {  	v45 =	vnsel vm2, $0x2000, v45;
	v47 =	vnsel vm3, $0x2000, v46;
	v46 =	vnsel vm4, $0x2000, v49  }
0xae: {  	v44 =	vadd.s32 $0x40, v44;
	[tilespmem:s20+$0x590] =	vst v47  }
0xaf: {  	[tilespmem:s20+$0x5A0] =	vst v46;
	s18 =	simm.s32 $0x580  }
0xb0: {  	[tilespmem:s20+$0x580] =	vst v45;
	s19 =	simm.s32 $0x80;
	s21 =	sadd.s32 $0x0, s6;
	s20 =	simm.s32 $0x780  }
.LBB2_8:
0xb1: {  	[hbm4b:s21+s1] =	stream.linear.scatter [tilespmem:s18], [sflag:$0x2], $0x80, $0x38;
	[tilespmem:$0x8500] =	vst v63  }
0xb2: {  	s21 =	smov.u32 s19;
	s18 =	smov.u32 s20;
	p0 =	sne.s32 s19, $0x1F80  }
.Ltmp3:
0xb3: {  	s19 =	sadd.s32 $0x80, s19;
	(pc) =	sbr.rel @p0 .LBB2_8-.Ltmp3, $2  }
0xb4: {  	_ =	sdelay $0x2  }
0xb5: {  	s20 =	sadd.s32 $0x200, s20;
	s21 =	sadd.s32 s21, s6  }
0xb6: {  	_ =	sdelay $0x2  }
0xb7: {  	[hbm4b:s21+s1] =	stream.linear.scatter [tilespmem:s18], [sflag:$0x2], $0x80, $0x38;
	[tilespmem:$0x8500] =	vst v63  }
0xb8: {  	v36 =	vld.idx.msk [tilespmem:v20+s12+$0x0], $0xffff  }
0xb9: {  	v37 =	vld.idx.msk [tilespmem:v21+s12+$0x0], $0xffff  }
0xba: {  	v38 =	vld.idx.msk [tilespmem:v24+s12+$0x0], $0xffff  }
0xbb: {  	v40 =	vld.idx.msk [tilespmem:v25+s12+$0x0], $0xffff  }
0xbc: {  	v41 =	vld.idx.msk [tilespmem:v26+s12+$0x0], $0xffff  }
0xbd: {  	v44 =	vlaneseq.u32;
	v43 =	vld.idx.msk [tilespmem:v27+s12+$0x0], $0xffff  }
0xbe: {  	v45 =	vadd.s32 $0x10, v44  }
0xbf: {  	v39 =	vld.idx.msk [tilespmem:v22+s12+$0x0], $0xffff;
	v46 =	vadd.s32 $0x20, v44;
	v47 =	vadd.s32 $0x30, v44;
	vm2 =	vlt.s32 v45, v38  }
0xc0: {  	v42 =	vld.idx.msk [tilespmem:v23+s12+$0x0], $0xffff;
	vm3 =	vlt.s32 v46, v38;
	vm4 =	vlt.s32 v47, v38;
	vm5 =	vlt.s32 v44, v38  }
0xc1: {  	vm6 =	vlt.s32 v47, v40;
	vm12 =	vlt.s32 v44, v40;
	vm13 =	vlt.s32 v46, v40  }
0xc2: {  	vm14 =	vlt.s32 v46, v41;
	vm15 =	vlt.s32 v46, v43;
	v48 =	vsel vm4, v36, v37  }
0xc3: {  	v49 =	vsel vm2, v36, v37;
	vm2 =	vlt.s32 v47, v41;
	v50 =	vsel vm5, v36, v37  }
0xc4: {  	v51 =	vsel vm3, v36, v37;
	vm3 =	vlt.s32 v47, v43;
	v48 =	vsel vm6, v48, v39  }
0xc5: {  	p0 =	por $0x0, $0x0;
	s18 =	simm.s32 $0x1;
	v61 =	vsel vm12, v50, v39;
	v62 =	vsel vm13, v51, v39;
	v48 =	vsel vm2, v48, v42  }
0xc6: {  	s18 =	simm.s32 @!p0 $0x0;
	vm2 =	vlt.s32 v45, v40;
	v50 =	vsel vm14, v62, v42;
	v47 =	vadd.s32 v47, v48  }
0xc7: {  	s18 =	sshll.u32 s18, $0x6;
	v49 =	vsel vm2, v49, v39;
	v47 =	vnsel vm3, $0x2000, v47;
	vm3 =	vlt.s32 v45, v41  }
0xc8: {  	s31 =	sadd.s32 $0x0, s18;
	vm2 =	vlt.s32 v44, v41;
	v50 =	vadd.s32 v46, v50;
	v49 =	vsel vm3, v49, v42  }
0xc9: {  	s19 =	sor.u32 $0x130, s31;
	v48 =	vsel vm2, v61, v42;
	vm2 =	vlt.s32 v45, v43;
	v49 =	vadd.s32 v45, v49  }
0xca: {  	s18 =	simm.s32 $0x0;
	s22 =	sor.u32 $0x110, s31;
	v48 =	vadd.s32 v44, v48;
	[tilespmem:s19+$0x500] =	vst v47;
	vm3 =	vlt.s32 v44, v43;
	v63 =	vnsel vm2, $0x2000, v49  }
0xcb: {  	s20 =	sor.u32 $0x100, s31;
	s21 =	sor.u32 $0x120, s31;
	v46 =	vnsel vm15, $0x2000, v50;
	s19 =	simm.s32 $0x0;
	v44 =	vadd.s32 $0x40, v44;
	v45 =	vnsel vm3, $0x2000, v48;
	[tilespmem:s22+$0x500] =	vst v63  }
.LBB2_10:
0xcc: {  	v47 =	vadd.s32 $0x10, v44;
	v48 =	vadd.s32 $0x20, v44;
	v49 =	vadd.s32 $0x30, v44;
	s19 =	sadd.s32 $0x40, s19;
	[tilespmem:s21+$0x500] =	vst v46  }
0xcd: {  	vm2 =	vlt.s32 v47, v38;
	vm3 =	vlt.s32 v48, v38;
	vm4 =	vlt.s32 v49, v38;
	p1 =	slt.u32 s19, $0x1FC0;
	[tilespmem:s20+$0x500] =	vst v45  }
0xce: {  	vm5 =	vlt.s32 v44, v38;
	p0 =	por !p0, !p0;
	vm6 =	vlt.s32 v49, v40;
	s20 =	simm.s32 $0x1;
	v45 =	vsel vm4, v36, v37  }
0xcf: {  	s20 =	simm.s32 @!p0 $0x0;
	v46 =	vsel vm2, v36, v37;
	vm2 =	vlt.s32 v49, v41;
	v45 =	vsel vm6, v45, v39  }
0xd0: {  	s18 =	sadd.s32 $0x100, s18;
	v50 =	vsel vm5, v36, v37;
	v51 =	vsel vm3, v36, v37;
	s20 =	sshll.u32 s20, $0x6;
	v45 =	vsel vm2, v45, v42  }
0xd1: {  	vm3 =	vlt.s32 v49, v43;
	s21 =	sadd.s32 s20, s18;
	vm2 =	vlt.s32 v47, v40;
	v45 =	vadd.s32 v49, v45  }
0xd2: {  	vm5 =	vlt.s32 v48, v40;
	vm4 =	vlt.s32 v44, v40;
	s20 =	sor.u32 $0x100, s21;
	s22 =	sor.u32 $0x110, s21;
	s23 =	sor.u32 $0x130, s21;
	v45 =	vnsel vm3, $0x2000, v45  }
0xd3: {  	v49 =	vsel vm4, v50, v39;
	v46 =	vsel vm2, v46, v39;
	v50 =	vsel vm5, v51, v39;
	s21 =	sor.u32 $0x120, s21;
	[tilespmem:s23+$0x500] =	vst v45  }
0xd4: {  	vm2 =	vlt.s32 v44, v41;
	vm4 =	vlt.s32 v48, v41;
	vm3 =	vlt.s32 v47, v41  }
.Ltmp4:
0xd5: {  	v45 =	vsel vm2, v49, v42;
	v46 =	vsel vm3, v46, v42;
	v49 =	vsel vm4, v50, v42;
	(pc) =	sbr.rel @p1 .LBB2_10-.Ltmp4, $4  }
0xd6: {  	v45 =	vadd.s32 v44, v45;
	v46 =	vadd.s32 v47, v46;
	v49 =	vadd.s32 v48, v49  }
0xd7: {  	vm2 =	vlt.s32 v44, v43;
	vm3 =	vlt.s32 v47, v43;
	vm4 =	vlt.s32 v48, v43  }
0xd8: {  	v45 =	vnsel vm2, $0x2000, v45;
	v47 =	vnsel vm3, $0x2000, v46;
	v46 =	vnsel vm4, $0x2000, v49  }
0xd9: {  	v44 =	vadd.s32 $0x40, v44;
	[tilespmem:s22+$0x500] =	vst v47  }
0xda: {  	[tilespmem:s21+$0x500] =	vst v46;
	s18 =	simm.s32 $0x600  }
0xdb: {  	[tilespmem:s20+$0x500] =	vst v45;
	s19 =	simm.s32 $0x80;
	s21 =	sadd.s32 $0x0, s7;
	s20 =	simm.s32 $0x800  }
.LBB2_12:
0xdc: {  	[hbm4b:s21+s1] =	stream.linear.scatter [tilespmem:s18], [sflag:$0x3], $0x80, $0x38;
	[tilespmem:$0x8500] =	vst v63  }
0xdd: {  	s21 =	smov.u32 s19;
	s18 =	smov.u32 s20;
	p0 =	sne.s32 s19, $0x1F80  }
.Ltmp5:
0xde: {  	s19 =	sadd.s32 $0x80, s19;
	(pc) =	sbr.rel @p0 .LBB2_12-.Ltmp5, $2  }
0xdf: {  	_ =	sdelay $0x2  }
0xe0: {  	s20 =	sadd.s32 $0x200, s20;
	s21 =	sadd.s32 s21, s7  }
0xe1: {  	_ =	sdelay $0x2  }
0xe2: {  	[hbm4b:s21+s1] =	stream.linear.scatter [tilespmem:s18], [sflag:$0x3], $0x80, $0x38;
	[tilespmem:$0x8500] =	vst v63  }
0xe3: {  	v36 =	vld.idx.msk [tilespmem:v28+s12+$0x0], $0xffff  }
0xe4: {  	v37 =	vld.idx.msk [tilespmem:v29+s12+$0x0], $0xffff  }
0xe5: {  	v38 =	vld.idx.msk [tilespmem:v32+s12+$0x0], $0xffff  }
0xe6: {  	v40 =	vld.idx.msk [tilespmem:v33+s12+$0x0], $0xffff  }
0xe7: {  	v41 =	vld.idx.msk [tilespmem:v34+s12+$0x0], $0xffff  }
0xe8: {  	v44 =	vlaneseq.u32;
	v43 =	vld.idx.msk [tilespmem:v35+s12+$0x0], $0xffff  }
0xe9: {  	v45 =	vadd.s32 $0x10, v44  }
0xea: {  	v39 =	vld.idx.msk [tilespmem:v30+s12+$0x0], $0xffff;
	v46 =	vadd.s32 $0x20, v44;
	v47 =	vadd.s32 $0x30, v44;
	vm2 =	vlt.s32 v45, v38  }
0xeb: {  	v42 =	vld.idx.msk [tilespmem:v31+s12+$0x0], $0xffff;
	vm3 =	vlt.s32 v46, v38;
	vm4 =	vlt.s32 v47, v38;
	vm5 =	vlt.s32 v44, v38  }
0xec: {  	vm6 =	vlt.s32 v47, v40;
	vm12 =	vlt.s32 v44, v40;
	vm13 =	vlt.s32 v46, v40  }
0xed: {  	vm14 =	vlt.s32 v46, v41;
	vm15 =	vlt.s32 v46, v43;
	v48 =	vsel vm4, v36, v37  }
0xee: {  	v49 =	vsel vm2, v36, v37;
	vm2 =	vlt.s32 v47, v41;
	v50 =	vsel vm5, v36, v37  }
0xef: {  	v51 =	vsel vm3, v36, v37;
	vm3 =	vlt.s32 v47, v43;
	v48 =	vsel vm6, v48, v39  }
0xf0: {  	p0 =	por $0x0, $0x0;
	s18 =	simm.s32 $0x1;
	v61 =	vsel vm12, v50, v39;
	v62 =	vsel vm13, v51, v39;
	v48 =	vsel vm2, v48, v42  }
0xf1: {  	s18 =	simm.s32 @!p0 $0x0;
	vm2 =	vlt.s32 v45, v40;
	v50 =	vsel vm14, v62, v42;
	v47 =	vadd.s32 v47, v48  }
0xf2: {  	s18 =	sshll.u32 s18, $0x6;
	v49 =	vsel vm2, v49, v39;
	v47 =	vnsel vm3, $0x2000, v47;
	vm3 =	vlt.s32 v45, v41  }
0xf3: {  	s31 =	sadd.s32 $0x0, s18;
	vm2 =	vlt.s32 v44, v41;
	v50 =	vadd.s32 v46, v50;
	v49 =	vsel vm3, v49, v42  }
0xf4: {  	s19 =	sor.u32 $0x1B0, s31;
	v48 =	vsel vm2, v61, v42;
	vm2 =	vlt.s32 v45, v43;
	v49 =	vadd.s32 v45, v49  }
0xf5: {  	s18 =	simm.s32 $0x0;
	s22 =	sor.u32 $0x190, s31;
	v48 =	vadd.s32 v44, v48;
	[tilespmem:s19+$0x500] =	vst v47;
	vm3 =	vlt.s32 v44, v43;
	v63 =	vnsel vm2, $0x2000, v49  }
0xf6: {  	s20 =	sor.u32 $0x180, s31;
	s21 =	sor.u32 $0x1A0, s31;
	v46 =	vnsel vm15, $0x2000, v50;
	s19 =	simm.s32 $0x0;
	v44 =	vadd.s32 $0x40, v44;
	v45 =	vnsel vm3, $0x2000, v48;
	[tilespmem:s22+$0x500] =	vst v63  }
.LBB2_14:
0xf7: {  	v47 =	vadd.s32 $0x10, v44;
	v48 =	vadd.s32 $0x20, v44;
	v49 =	vadd.s32 $0x30, v44;
	s19 =	sadd.s32 $0x40, s19;
	[tilespmem:s21+$0x500] =	vst v46  }
0xf8: {  	vm2 =	vlt.s32 v47, v38;
	vm3 =	vlt.s32 v48, v38;
	vm4 =	vlt.s32 v49, v38;
	p1 =	slt.u32 s19, $0x1FC0;
	[tilespmem:s20+$0x500] =	vst v45  }
0xf9: {  	vm5 =	vlt.s32 v44, v38;
	p0 =	por !p0, !p0;
	vm6 =	vlt.s32 v49, v40;
	s20 =	simm.s32 $0x1;
	v45 =	vsel vm4, v36, v37  }
0xfa: {  	s20 =	simm.s32 @!p0 $0x0;
	v46 =	vsel vm2, v36, v37;
	vm2 =	vlt.s32 v49, v41;
	v45 =	vsel vm6, v45, v39  }
0xfb: {  	s18 =	sadd.s32 $0x100, s18;
	v50 =	vsel vm5, v36, v37;
	v51 =	vsel vm3, v36, v37;
	s20 =	sshll.u32 s20, $0x6;
	v45 =	vsel vm2, v45, v42  }
0xfc: {  	vm3 =	vlt.s32 v49, v43;
	s21 =	sadd.s32 s20, s18;
	vm2 =	vlt.s32 v47, v40;
	v45 =	vadd.s32 v49, v45  }
0xfd: {  	vm5 =	vlt.s32 v48, v40;
	vm4 =	vlt.s32 v44, v40;
	s20 =	sor.u32 $0x180, s21;
	s22 =	sor.u32 $0x190, s21;
	s23 =	sor.u32 $0x1B0, s21;
	v45 =	vnsel vm3, $0x2000, v45  }
0xfe: {  	v49 =	vsel vm4, v50, v39;
	v46 =	vsel vm2, v46, v39;
	v50 =	vsel vm5, v51, v39;
	s21 =	sor.u32 $0x1A0, s21;
	[tilespmem:s23+$0x500] =	vst v45  }
0xff: {  	vm2 =	vlt.s32 v44, v41;
	vm4 =	vlt.s32 v48, v41;
	vm3 =	vlt.s32 v47, v41  }
.Ltmp6:
0x100: {  	v45 =	vsel vm2, v49, v42;
	v46 =	vsel vm3, v46, v42;
	v49 =	vsel vm4, v50, v42;
	(pc) =	sbr.rel @p1 .LBB2_14-.Ltmp6, $4  }
0x101: {  	v45 =	vadd.s32 v44, v45;
	v46 =	vadd.s32 v47, v46;
	v49 =	vadd.s32 v48, v49  }
0x102: {  	vm2 =	vlt.s32 v44, v43;
	vm3 =	vlt.s32 v47, v43;
	vm4 =	vlt.s32 v48, v43  }
0x103: {  	v45 =	vnsel vm2, $0x2000, v45;
	v47 =	vnsel vm3, $0x2000, v46;
	v46 =	vnsel vm4, $0x2000, v49  }
0x104: {  	v44 =	vadd.s32 $0x40, v44;
	[tilespmem:s22+$0x500] =	vst v47  }
0x105: {  	[tilespmem:s21+$0x500] =	vst v46;
	s18 =	simm.s32 $0x680  }
0x106: {  	[tilespmem:s20+$0x500] =	vst v45;
	s19 =	simm.s32 $0x80;
	s21 =	sadd.s32 $0x0, s8;
	s20 =	simm.s32 $0x880  }
.LBB2_16:
0x107: {  	[hbm4b:s21+s1] =	stream.linear.scatter [tilespmem:s18], [sflag:$0x4], $0x80, $0x38;
	[tilespmem:$0x8500] =	vst v63  }
0x108: {  	s21 =	smov.u32 s19;
	s18 =	smov.u32 s20;
	p0 =	sne.s32 s19, $0x1F80  }
.Ltmp7:
0x109: {  	s19 =	sadd.s32 $0x80, s19;
	(pc) =	sbr.rel @p0 .LBB2_16-.Ltmp7, $2  }
0x10a: {  	_ =	sdelay $0x2  }
0x10b: {  	s20 =	sadd.s32 $0x200, s20;
	s21 =	sadd.s32 s21, s8  }
0x10c: {  	[hbm4b:s21+s1] =	stream.linear.scatter [tilespmem:s18], [sflag:$0x4], $0x80, $0x38;
	[tilespmem:$0x8500] =	vst v63  }
0x10d: {  	_ =	swait.ge [sflag:s13], $0x2000  }
0x10e: {  	[sflag:s13] =	ssyncset.done $0x0  }
0x10f: {  	[sflag:s13] =	ssyncadd.s32 $0xFFFFE000  }
0x110: {  	_ =	swait.ge [sflag:s14], $0x2000  }
0x111: {  	[sflag:s14] =	ssyncset.done $0x0  }
0x112: {  	s17 =	sadd.s32 $0x1, s17;
	[sflag:s14] =	ssyncadd.s32 $0xFFFFE000  }
0x113: {  	p0 =	sne.s32 s17, s9;
	_ =	swait.ge [sflag:s15], $0x2000  }
.Ltmp8:
0x114: {  	[sflag:s15] =	ssyncset.done $0x0;
	(pc) =	sbr.rel @p0 .LBB2_1-.Ltmp8, $4  }
0x115: {  	[sflag:s15] =	ssyncadd.s32 $0xFFFFE000  }
0x116: {  	_ =	swait.ge [sflag:s16], $0x2000  }
0x117: {  	[sflag:s16] =	ssyncset.done $0x0  }
0x118: {  	[sflag:s16] =	ssyncadd.s32 $0xFFFFE000  }
0x119: {  	_ =	sfence.sel $0x180000  }
0x11a: {  	[bflag:$0x0] =	sbarrier.arrive $0xFFFF  }
0x11b: {  	p0 =	sne.s32 s2, $0x0;
	_ =	strace $0x90000047  }
0x11c: {  	s0 =	sadd.s32 @!p0 $0x100000, s0;
	[bflag:$0x2] =	sbarrier.arrive $0xFFFF  }
0x11d: {  	[sflag:s0] =	ssyncadd.tile.s32 @!p0 $0x1;
	_ =	shalt  }
.Lfunc_end2:
_tile_overlayer_lowered:
.L_overlay_start_2:
0x11e: {  	(tag) =	ssettag $0x2  }
0x11f: {  	s0 =	rddreg [dreg:$0x0];
	s2 =	stileid.u32  }
0x120: {  	s1 =	rddreg [dreg:$0x1];
	p0 =	sne.s32 s2, $0x0  }
0x121: {  	s3 =	rddreg [dreg:$0x2];
	[bflag:$0x3] =	sbarrier.arrive $0xFFFF;
	s2 =	simm.s32 @!p0 $0x1C05  }
0x122: {  	[timem:s3], [sflag:s2] =	dma.local @!p0 [hbm:s0], s1  }
0x123: {  	s0 =	simm.s32 @!p0 $0x5  }
0x124: {  	_ =	swait.ge @!p0 [sflag:s0], s1  }
0x125: {  	s1 =	ssub.s32 @!p0 $0x0, s1;
	[sflag:s0] =	ssyncset.done @!p0 $0x0  }
0x126: {  	[sflag:s0] =	ssyncadd.s32 @!p0 s1  }
0x127: {  	[bflag:$0x3] =	sbarrier.arrive $0xFFFF  }
0x128: {  	_ =	shalt  }

</sc_bundles>
